<compile_context>
chip_gen: v7x
topology: tpu7x:2x2x1
jax: 0.10.2.dev20260603
libtpu: 0.0.44.dev20260713+nightly
codegen_flags: <defaults>
</compile_context>

<pallas_src>
import functools

import jax
import jax.numpy as jnp
from jax import lax
from jax.experimental import pallas as pl
from jax.experimental.pallas import tpu as pltpu
from jax.experimental.pallas import tpu_sc as plsc

N, D, E, H, TOPK = 2048, 768, 8, 1536, 2
NK = N * TOPK
BM = 512
CAP = NK + E * BM
NBLK = CAP // BM
NW = 32
TPW = N // NW


def _route_body(x_ref, wg_ref, bg_ref,
                w0_ref, w1_ref, d0_ref, d1_ref, eid_ref, aend_ref):
    logits = jnp.dot(x_ref[...], wg_ref[...],
                     preferred_element_type=jnp.float32) + bg_ref[...]
    m = jnp.max(logits, axis=-1, keepdims=True)
    p = jnp.exp(logits - m)
    p = p / jnp.sum(p, axis=-1, keepdims=True)
    eidx = jax.lax.broadcasted_iota(jnp.int32, p.shape, 1)
    big = jnp.int32(E)
    p1 = jnp.max(p, axis=-1, keepdims=True)
    i1 = jnp.min(jnp.where(p == p1, eidx, big), axis=-1, keepdims=True)
    mask1 = eidx == i1
    pm = jnp.where(mask1, -jnp.inf, p)
    p2 = jnp.max(pm, axis=-1, keepdims=True)
    i2 = jnp.min(jnp.where(pm == p2, eidx, big), axis=-1, keepdims=True)
    mask2 = eidx == i2
    denom = p1 + p2
    w0_ref[...] = p1 / denom
    w1_ref[...] = p2 / denom

    oh1 = mask1.astype(jnp.float32)
    oh2 = mask2.astype(jnp.float32)

    def excl_cumsum(a):
        s = a
        for sh in (1, 2, 4, 8, 16, 32, 64, 128, 256, 512, 1024):
            s = s + jnp.concatenate(
                [jnp.zeros((sh, E), jnp.float32), s[:N - sh]], axis=0)
        return s - a

    c1 = excl_cumsum(oh1)
    tot1 = jnp.sum(oh1, axis=0, keepdims=True)
    c2 = excl_cumsum(oh2) + tot1
    counts = (tot1 + jnp.sum(oh2, axis=0, keepdims=True)).astype(jnp.int32)

    padded = jnp.left_shift(
        jnp.right_shift(counts + jnp.int32(BM - 1), 9), 9)
    r8 = jax.lax.broadcasted_iota(jnp.int32, (E, E), 0)
    c8 = jax.lax.broadcasted_iota(jnp.int32, (E, E), 1)
    padded_col = jnp.sum(jnp.where(r8 == c8, padded, 0),
                         axis=1, keepdims=True)
    aoff = jnp.sum(jnp.where(r8 < c8, padded_col, 0),
                   axis=0, keepdims=True)
    aend_ref[...] = jnp.squeeze(aoff + counts, axis=0)

    aoff_f = aoff.astype(jnp.float32)
    d0 = jnp.sum(jnp.where(mask1, aoff_f + c1, 0.0), axis=1, keepdims=True)
    d1 = jnp.sum(jnp.where(mask2, aoff_f + c2, 0.0), axis=1, keepdims=True)
    d0_ref[...] = jnp.squeeze(d0.astype(jnp.int32), axis=1)
    d1_ref[...] = jnp.squeeze(d1.astype(jnp.int32), axis=1)

    bstart = jax.lax.broadcasted_iota(jnp.int32, (NBLK, E), 0) * BM
    hits = (bstart >= jnp.broadcast_to(aoff, (NBLK, E))).astype(jnp.int32)
    eid = jnp.minimum(jnp.sum(hits, axis=1, keepdims=True) - 1,
                      jnp.int32(E - 1))
    eid_ref[...] = jnp.squeeze(eid, axis=1)


def _route(x, Wg, bg):
    return pl.pallas_call(
        _route_body,
        grid=(1,),
        in_specs=[
            pl.BlockSpec((N, D), lambda i: (0, 0)),
            pl.BlockSpec((D, E), lambda i: (0, 0)),
            pl.BlockSpec((E,), lambda i: (0,)),
        ],
        out_specs=[
            pl.BlockSpec((N, 1), lambda i: (0, 0)),
            pl.BlockSpec((N, 1), lambda i: (0, 0)),
            pl.BlockSpec((N,), lambda i: (0,)),
            pl.BlockSpec((N,), lambda i: (0,)),
            pl.BlockSpec((NBLK,), lambda i: (0,)),
            pl.BlockSpec((E,), lambda i: (0,)),
        ],
        out_shape=[
            jax.ShapeDtypeStruct((N, 1), jnp.float32),
            jax.ShapeDtypeStruct((N, 1), jnp.float32),
            jax.ShapeDtypeStruct((N,), jnp.int32),
            jax.ShapeDtypeStruct((N,), jnp.int32),
            jax.ShapeDtypeStruct((NBLK,), jnp.int32),
            jax.ShapeDtypeStruct((E,), jnp.int32),
        ],
    )(x, Wg, bg)


@functools.lru_cache(maxsize=1)
def _sc_kernels():
    mesh = plsc.VectorSubcoreMesh(core_axis_name="c", subcore_axis_name="s")

    @functools.partial(
        pl.kernel, mesh=mesh,
        out_type=jax.ShapeDtypeStruct((CAP, D), jnp.float32),
        scratch_types=[
            pltpu.VMEM((TPW,), jnp.int32),
            pltpu.VMEM((TPW,), jnp.int32),
            pltpu.VMEM((TPW, D), jnp.float32),
            pltpu.SemaphoreType.DMA,
        ],
    )
    def sc_scatter(x_hbm, d0_hbm, d1_hbm, xs_hbm, i0_v, i1_v, rows_v, sem):
        wid = lax.axis_index("s") * 2 + lax.axis_index("c")
        base = wid * TPW
        pltpu.sync_copy(d0_hbm.at[pl.ds(base, TPW)], i0_v)
        pltpu.sync_copy(d1_hbm.at[pl.ds(base, TPW)], i1_v)
        pltpu.sync_copy(x_hbm.at[pl.ds(base, TPW)], rows_v)
        cp0 = pltpu.async_copy(rows_v, xs_hbm.at[i0_v], sem)
        cp1 = pltpu.async_copy(rows_v, xs_hbm.at[i1_v], sem)
        cp0.wait()
        cp1.wait()

    @functools.partial(
        pl.kernel, mesh=mesh,
        out_type=[
            jax.ShapeDtypeStruct((N, D), jnp.float32),
            jax.ShapeDtypeStruct((N, D), jnp.float32),
        ],
        scratch_types=[
            pltpu.VMEM((TPW,), jnp.int32),
            pltpu.VMEM((TPW,), jnp.int32),
            pltpu.VMEM((TPW, D), jnp.float32),
            pltpu.VMEM((TPW, D), jnp.float32),
            pltpu.SemaphoreType.DMA,
            pltpu.SemaphoreType.DMA,
        ],
    )
    def sc_gather(ys_hbm, d0_hbm, d1_hbm, z0_hbm, z1_hbm,
                  i0_v, i1_v, r0_v, r1_v, sem0, sem1):
        wid = lax.axis_index("s") * 2 + lax.axis_index("c")
        base = wid * TPW
        pltpu.sync_copy(d0_hbm.at[pl.ds(base, TPW)], i0_v)
        pltpu.sync_copy(d1_hbm.at[pl.ds(base, TPW)], i1_v)
        cp0 = pltpu.async_copy(ys_hbm.at[i0_v], r0_v, sem0)
        cp1 = pltpu.async_copy(ys_hbm.at[i1_v], r1_v, sem1)
        cp0.wait()
        pltpu.sync_copy(r0_v, z0_hbm.at[pl.ds(base, TPW)])
        cp1.wait()
        pltpu.sync_copy(r1_v, z1_hbm.at[pl.ds(base, TPW)])

    return sc_scatter, sc_gather


def _sc_scatter(x, d0f, d1f):
    return _sc_kernels()[0](x, d0f, d1f)


def _sc_gather(ys, d0f, d1f):
    return _sc_kernels()[1](ys, d0f, d1f)


def _gmm_body(eid_ref, aend_ref, xs_ref, w1_ref, b1_ref, w2_ref, b2_ref,
              ys_ref):
    b = pl.program_id(0)
    e = eid_ref[b]

    @pl.when(b * BM < aend_ref[e])
    def _do():
        xb = xs_ref[...].astype(jnp.bfloat16)
        w1e = w1_ref[0].astype(jnp.bfloat16)
        h = jnp.dot(xb, w1e, preferred_element_type=jnp.float32)
        h = h + b1_ref[pl.ds(e, 1), :]
        a = (0.5 * h * (1.0 + jax.lax.erf(h * 0.7071067811865476))
             ).astype(jnp.bfloat16)
        w2e = w2_ref[0].astype(jnp.bfloat16)
        y = jnp.dot(a, w2e, preferred_element_type=jnp.float32)
        ys_ref[...] = y + b2_ref[pl.ds(e, 1), :]


def _gmm(eid, aend, xs, W1, b1, W2, b2):
    grid_spec = pltpu.PrefetchScalarGridSpec(
        num_scalar_prefetch=2,
        grid=(NBLK,),
        in_specs=[
            pl.BlockSpec((BM, D), lambda b, eid, aend: (b, 0)),
            pl.BlockSpec((1, D, H), lambda b, eid, aend: (eid[b], 0, 0)),
            pl.BlockSpec((E, H), lambda b, eid, aend: (0, 0)),
            pl.BlockSpec((1, H, D), lambda b, eid, aend: (eid[b], 0, 0)),
            pl.BlockSpec((E, D), lambda b, eid, aend: (0, 0)),
        ],
        out_specs=pl.BlockSpec((BM, D), lambda b, eid, aend: (b, 0)),
    )
    return pl.pallas_call(
        _gmm_body,
        grid_spec=grid_spec,
        out_shape=jax.ShapeDtypeStruct((CAP, D), jnp.float32),
        compiler_params=pltpu.CompilerParams(
            dimension_semantics=("arbitrary",),
        ),
    )(eid, aend, xs, W1, b1, W2, b2)


def _combine_body(x_ref, w0_ref, w1_ref, z0_ref, z1_ref, out_ref):
    out_ref[...] = (x_ref[...] + w0_ref[...] * z0_ref[...]
                    + w1_ref[...] * z1_ref[...])


def _combine(x, w0, w1, z0, z1):
    return pl.pallas_call(
        _combine_body,
        grid=(2,),
        in_specs=[
            pl.BlockSpec((N // 2, D), lambda i: (i, 0)),
            pl.BlockSpec((N // 2, 1), lambda i: (i, 0)),
            pl.BlockSpec((N // 2, 1), lambda i: (i, 0)),
            pl.BlockSpec((N // 2, D), lambda i: (i, 0)),
            pl.BlockSpec((N // 2, D), lambda i: (i, 0)),
        ],
        out_specs=pl.BlockSpec((N // 2, D), lambda i: (i, 0)),
        out_shape=jax.ShapeDtypeStruct((N, D), jnp.float32),
    )(x, w0, w1, z0, z1)


@jax.jit
def kernel(x, Wg, bg, W1, b1, W2, b2):
    w0, w1, d0, d1, eid, aend = _route(x, Wg, bg)
    xs = _sc_scatter(x, d0, d1)
    ys = _gmm(eid, aend, xs, W1, b1, W2, b2)
    z0, z1 = _sc_gather(ys, d0, d1)
    return _combine(x, w0, w1, z0, z1)

# --- scband reference (transcript-rebuilt; emitter-appended) ---
"""Pipeline reference for scband-mo-elayer-39195871543600 (READ-ONLY COPY).

The authoritative reference and input builder live on the scoring server;
editing this copy changes nothing except your own understanding.
"""

import jax, jax.numpy as jnp
import numpy as np

N, D, E, H, TOPK = 2048, 768, 8, 1536, 2

def setup_inputs(seed: int = 0) -> dict:
    key = jax.random.key(seed)
    ks = jax.random.split(key, 8)
    x = jax.random.normal(ks[0], (N, D), dtype=jnp.float32)
    Wg = jax.random.normal(ks[1], (D, E), dtype=jnp.float32) * 0.02
    bg = jnp.zeros((E,), dtype=jnp.float32)
    W1 = jax.random.normal(ks[2], (E, D, H), dtype=jnp.float32) * 0.02
    b1 = jnp.zeros((E, H), dtype=jnp.float32)
    W2 = jax.random.normal(ks[3], (E, H, D), dtype=jnp.float32) * 0.02
    b2 = jnp.zeros((E, D), dtype=jnp.float32)
    return {"x": x, "Wg": Wg, "bg": bg, "W1": W1, "b1": b1, "W2": W2, "b2": b2}

def reference(x, Wg, bg, W1, b1, W2, b2):
    # gate
    gate_logits = x @ Wg + bg                       # [N, E]
    gate_probs = jax.nn.softmax(gate_logits, axis=-1)
    top_k_probs, top_k_indices = jax.lax.top_k(gate_probs, TOPK)   # [N, K]
    top_k_probs = top_k_probs / jnp.sum(top_k_probs, axis=-1, keepdims=True)
    # dense all-expert computation (matches torch.stack over experts); dropout is identity at eval
    h = jnp.einsum('nd,edh->neh', x, W1) + b1[None, :, :]          # [N, E, H]
    a = jax.nn.gelu(h, approximate=False)
    expert_outputs = jnp.einsum('neh,ehd->ned', a, W2) + b2[None, :, :]  # [N, E, D]
    out = jnp.zeros_like(x)
    rows = jnp.arange(N)
    for k in range(TOPK):
        expert_idx = top_k_indices[:, k]                            # [N]
        expert_weight = top_k_probs[:, k][:, None]                  # [N, 1]
        expert_out = expert_outputs[rows, expert_idx]               # gather [N, D]
        out = out + expert_weight * expert_out
    return out + x

if __name__ == "__main__":
    import jax
    _d = setup_inputs()
    print(jax.jit(kernel)(*tuple(_d.values())))

</pallas_src>

<mosaic_0001>
#map = affine_map<(d0, d1) -> (0, 0)>
#map1 = affine_map<(d0, d1) -> (0)>
module attributes {stable_mosaic.version = 14 : i64} {
  func.func @sc_gather(%arg0: i32, %arg1: i32, %arg2: memref<8192x768xf32, #tpu.memory_space<hbm>>, %arg3: memref<2048xi32, #tpu.memory_space<hbm>>, %arg4: memref<2048xi32, #tpu.memory_space<hbm>>, %arg5: memref<2048x768xf32, #tpu.memory_space<hbm>>, %arg6: memref<2048x768xf32, #tpu.memory_space<hbm>>, %arg7: memref<64xi32, #tpu.memory_space<vmem>>, %arg8: memref<64xi32, #tpu.memory_space<vmem>>, %arg9: memref<64x768xf32, #tpu.memory_space<vmem>>, %arg10: memref<64x768xf32, #tpu.memory_space<vmem>>, %arg11: memref<!tpu.dma_semaphore, #tpu.memory_space<semaphore_mem>>, %arg12: memref<!tpu.dma_semaphore, #tpu.memory_space<semaphore_mem>>) attributes {dimension_semantics = [#tpu.dimension_semantics<core_parallel>, #tpu.dimension_semantics<subcore_parallel>], iteration_bounds = array<i64: 2, 16>, scalar_prefetch = 0 : i64, scratch_operands = 6 : i64, tpu.core_type = #tpu.core_type<sc_vector_subcore>, window_params = [{transform_indices = #map}, {transform_indices = #map1}, {transform_indices = #map1}, {transform_indices = #map}, {transform_indices = #map}]} {
    %mul3A = arith.constant 2 : i32
    %mul3A_0 = arith.muli %arg1, %mul3A : i32
    %add3A = arith.addi %mul3A_0, %arg0 : i32
    %mul3A_1 = arith.constant 64 : i32
    %mul3A_2 = arith.muli %add3A, %mul3A_1 : i32
    "tpu.region"() ({
      %run_scoped3A = tpu.sem_alloc : memref<!tpu.dma_semaphore, #tpu.memory_space<semaphore_mem>>
      %dma_start3A_13 = tpu.memref_slice %arg3[%mul3A_2] : memref<2048xi32, #tpu.memory_space<hbm>> -> memref<64xi32, #tpu.memory_space<hbm>>
      %dma_start3A_14 = tpu.memref_slice %arg3[%mul3A_2] : memref<2048xi32, #tpu.memory_space<hbm>> -> memref<64xi32, #tpu.memory_space<hbm>>
      tpu.enqueue_dma source(%dma_start3A_14 : memref<64xi32, #tpu.memory_space<hbm>>) target(%arg7 : memref<64xi32, #tpu.memory_space<vmem>>) target_semaphore(%run_scoped3A : memref<!tpu.dma_semaphore, #tpu.memory_space<semaphore_mem>>)
      %dma_wait3A_15 = tpu.memref_slice %arg3[%mul3A_2] : memref<2048xi32, #tpu.memory_space<hbm>> -> memref<64xi32, #tpu.memory_space<hbm>>
      %dma_wait3A_16 = tpu.memref_slice %arg3[%mul3A_2] : memref<2048xi32, #tpu.memory_space<hbm>> -> memref<64xi32, #tpu.memory_space<hbm>>
      tpu.wait_dma2 semaphore(%run_scoped3A : memref<!tpu.dma_semaphore, #tpu.memory_space<semaphore_mem>>) src(%dma_wait3A_16 : memref<64xi32, #tpu.memory_space<hbm>>) dst(%arg7 : memref<64xi32, #tpu.memory_space<vmem>>)
      tpu.yield
    }) : () -> ()
    "tpu.region"() ({
      %run_scoped3A = tpu.sem_alloc : memref<!tpu.dma_semaphore, #tpu.memory_space<semaphore_mem>>
      %dma_start3A_13 = tpu.memref_slice %arg4[%mul3A_2] : memref<2048xi32, #tpu.memory_space<hbm>> -> memref<64xi32, #tpu.memory_space<hbm>>
      %dma_start3A_14 = tpu.memref_slice %arg4[%mul3A_2] : memref<2048xi32, #tpu.memory_space<hbm>> -> memref<64xi32, #tpu.memory_space<hbm>>
      tpu.enqueue_dma source(%dma_start3A_14 : memref<64xi32, #tpu.memory_space<hbm>>) target(%arg8 : memref<64xi32, #tpu.memory_space<vmem>>) target_semaphore(%run_scoped3A : memref<!tpu.dma_semaphore, #tpu.memory_space<semaphore_mem>>)
      %dma_wait3A_15 = tpu.memref_slice %arg4[%mul3A_2] : memref<2048xi32, #tpu.memory_space<hbm>> -> memref<64xi32, #tpu.memory_space<hbm>>
      %dma_wait3A_16 = tpu.memref_slice %arg4[%mul3A_2] : memref<2048xi32, #tpu.memory_space<hbm>> -> memref<64xi32, #tpu.memory_space<hbm>>
      tpu.wait_dma2 semaphore(%run_scoped3A : memref<!tpu.dma_semaphore, #tpu.memory_space<semaphore_mem>>) src(%dma_wait3A_16 : memref<64xi32, #tpu.memory_space<hbm>>) dst(%arg8 : memref<64xi32, #tpu.memory_space<vmem>>)
      tpu.yield
    }) : () -> ()
    %dma_start3A = arith.constant 0 : i32
    %dma_start3A_3 = arith.constant 0 : i32
    %dma_start3A_4 = tpu.memref_slice %arg2[%dma_start3A, %dma_start3A_3] : memref<8192x768xf32, #tpu.memory_space<hbm>> -> memref<8192x768xf32, #tpu.memory_space<hbm>>
    tpu.enqueue_indirect_dma source(%dma_start3A_4 : memref<8192x768xf32, #tpu.memory_space<hbm>>) target(%arg9 : memref<64x768xf32, #tpu.memory_space<vmem>>) offsets(%arg7 : memref<64xi32, #tpu.memory_space<vmem>>) semaphore(%arg11 : memref<!tpu.dma_semaphore, #tpu.memory_space<semaphore_mem>>)
    %dma_start3A_5 = arith.constant 0 : i32
    %dma_start3A_6 = arith.constant 0 : i32
    %dma_start3A_7 = tpu.memref_slice %arg2[%dma_start3A_5, %dma_start3A_6] : memref<8192x768xf32, #tpu.memory_space<hbm>> -> memref<8192x768xf32, #tpu.memory_space<hbm>>
    tpu.enqueue_indirect_dma source(%dma_start3A_7 : memref<8192x768xf32, #tpu.memory_space<hbm>>) target(%arg10 : memref<64x768xf32, #tpu.memory_space<vmem>>) offsets(%arg8 : memref<64xi32, #tpu.memory_space<vmem>>) semaphore(%arg12 : memref<!tpu.dma_semaphore, #tpu.memory_space<semaphore_mem>>)
    %dma_wait3A = arith.constant 0 : i32
    %dma_wait3A_8 = arith.constant 0 : i32
    %dma_wait3A_9 = tpu.memref_slice %arg2[%dma_wait3A, %dma_wait3A_8] : memref<8192x768xf32, #tpu.memory_space<hbm>> -> memref<8192x768xf32, #tpu.memory_space<hbm>>
    tpu.wait_indirect_dma semaphore(%arg11 : memref<!tpu.dma_semaphore, #tpu.memory_space<semaphore_mem>>) src(%dma_wait3A_9 : memref<8192x768xf32, #tpu.memory_space<hbm>>) dst(%arg9 : memref<64x768xf32, #tpu.memory_space<vmem>>)
    "tpu.region"() ({
      %run_scoped3A = tpu.sem_alloc : memref<!tpu.dma_semaphore, #tpu.memory_space<semaphore_mem>>
      %dma_start3A_13 = arith.constant 0 : i32
      %dma_start3A_14 = tpu.memref_slice %arg5[%mul3A_2, %dma_start3A_13] : memref<2048x768xf32, #tpu.memory_space<hbm>> -> memref<64x768xf32, #tpu.memory_space<hbm>>
      %dma_start3A_15 = arith.constant 0 : i32
      %dma_start3A_16 = tpu.memref_slice %arg5[%mul3A_2, %dma_start3A_15] : memref<2048x768xf32, #tpu.memory_space<hbm>> -> memref<64x768xf32, #tpu.memory_space<hbm>>
      tpu.enqueue_dma source(%arg9 : memref<64x768xf32, #tpu.memory_space<vmem>>) target(%dma_start3A_16 : memref<64x768xf32, #tpu.memory_space<hbm>>) target_semaphore(%run_scoped3A : memref<!tpu.dma_semaphore, #tpu.memory_space<semaphore_mem>>)
      %dma_wait3A_17 = arith.constant 0 : i32
      %dma_wait3A_18 = tpu.memref_slice %arg5[%mul3A_2, %dma_wait3A_17] : memref<2048x768xf32, #tpu.memory_space<hbm>> -> memref<64x768xf32, #tpu.memory_space<hbm>>
      %dma_wait3A_19 = arith.constant 0 : i32
      %dma_wait3A_20 = tpu.memref_slice %arg5[%mul3A_2, %dma_wait3A_19] : memref<2048x768xf32, #tpu.memory_space<hbm>> -> memref<64x768xf32, #tpu.memory_space<hbm>>
      tpu.wait_dma2 semaphore(%run_scoped3A : memref<!tpu.dma_semaphore, #tpu.memory_space<semaphore_mem>>) src(%arg9 : memref<64x768xf32, #tpu.memory_space<vmem>>) dst(%dma_wait3A_20 : memref<64x768xf32, #tpu.memory_space<hbm>>)
      tpu.yield
    }) : () -> ()
    %dma_wait3A_10 = arith.constant 0 : i32
    %dma_wait3A_11 = arith.constant 0 : i32
    %dma_wait3A_12 = tpu.memref_slice %arg2[%dma_wait3A_10, %dma_wait3A_11] : memref<8192x768xf32, #tpu.memory_space<hbm>> -> memref<8192x768xf32, #tpu.memory_space<hbm>>
    tpu.wait_indirect_dma semaphore(%arg12 : memref<!tpu.dma_semaphore, #tpu.memory_space<semaphore_mem>>) src(%dma_wait3A_12 : memref<8192x768xf32, #tpu.memory_space<hbm>>) dst(%arg10 : memref<64x768xf32, #tpu.memory_space<vmem>>)
    "tpu.region"() ({
      %run_scoped3A = tpu.sem_alloc : memref<!tpu.dma_semaphore, #tpu.memory_space<semaphore_mem>>
      %dma_start3A_13 = arith.constant 0 : i32
      %dma_start3A_14 = tpu.memref_slice %arg6[%mul3A_2, %dma_start3A_13] : memref<2048x768xf32, #tpu.memory_space<hbm>> -> memref<64x768xf32, #tpu.memory_space<hbm>>
      %dma_start3A_15 = arith.constant 0 : i32
      %dma_start3A_16 = tpu.memref_slice %arg6[%mul3A_2, %dma_start3A_15] : memref<2048x768xf32, #tpu.memory_space<hbm>> -> memref<64x768xf32, #tpu.memory_space<hbm>>
      tpu.enqueue_dma source(%arg10 : memref<64x768xf32, #tpu.memory_space<vmem>>) target(%dma_start3A_16 : memref<64x768xf32, #tpu.memory_space<hbm>>) target_semaphore(%run_scoped3A : memref<!tpu.dma_semaphore, #tpu.memory_space<semaphore_mem>>)
      %dma_wait3A_17 = arith.constant 0 : i32
      %dma_wait3A_18 = tpu.memref_slice %arg6[%mul3A_2, %dma_wait3A_17] : memref<2048x768xf32, #tpu.memory_space<hbm>> -> memref<64x768xf32, #tpu.memory_space<hbm>>
      %dma_wait3A_19 = arith.constant 0 : i32
      %dma_wait3A_20 = tpu.memref_slice %arg6[%mul3A_2, %dma_wait3A_19] : memref<2048x768xf32, #tpu.memory_space<hbm>> -> memref<64x768xf32, #tpu.memory_space<hbm>>
      tpu.wait_dma2 semaphore(%run_scoped3A : memref<!tpu.dma_semaphore, #tpu.memory_space<semaphore_mem>>) src(%arg10 : memref<64x768xf32, #tpu.memory_space<vmem>>) dst(%dma_wait3A_20 : memref<64x768xf32, #tpu.memory_space<hbm>>)
      tpu.yield
    }) : () -> ()
    return
  }
}

#map = affine_map<(d0, d1) -> (0, 0)>
#map1 = affine_map<(d0, d1) -> (0)>
module attributes {stable_mosaic.version = 14 : i64} {
  func.func @sc_scatter(%arg0: i32, %arg1: i32, %arg2: memref<2048x768xf32, #tpu.memory_space<hbm>>, %arg3: memref<2048xi32, #tpu.memory_space<hbm>>, %arg4: memref<2048xi32, #tpu.memory_space<hbm>>, %arg5: memref<8192x768xf32, #tpu.memory_space<hbm>>, %arg6: memref<64xi32, #tpu.memory_space<vmem>>, %arg7: memref<64xi32, #tpu.memory_space<vmem>>, %arg8: memref<64x768xf32, #tpu.memory_space<vmem>>, %arg9: memref<!tpu.dma_semaphore, #tpu.memory_space<semaphore_mem>>) attributes {dimension_semantics = [#tpu.dimension_semantics<core_parallel>, #tpu.dimension_semantics<subcore_parallel>], iteration_bounds = array<i64: 2, 16>, scalar_prefetch = 0 : i64, scratch_operands = 4 : i64, tpu.core_type = #tpu.core_type<sc_vector_subcore>, window_params = [{transform_indices = #map}, {transform_indices = #map1}, {transform_indices = #map1}, {transform_indices = #map}]} {
    %mul3A = arith.constant 2 : i32
    %mul3A_0 = arith.muli %arg1, %mul3A : i32
    %add3A = arith.addi %mul3A_0, %arg0 : i32
    %mul3A_1 = arith.constant 64 : i32
    %mul3A_2 = arith.muli %add3A, %mul3A_1 : i32
    "tpu.region"() ({
      %run_scoped3A = tpu.sem_alloc : memref<!tpu.dma_semaphore, #tpu.memory_space<semaphore_mem>>
      %dma_start3A_13 = tpu.memref_slice %arg3[%mul3A_2] : memref<2048xi32, #tpu.memory_space<hbm>> -> memref<64xi32, #tpu.memory_space<hbm>>
      %dma_start3A_14 = tpu.memref_slice %arg3[%mul3A_2] : memref<2048xi32, #tpu.memory_space<hbm>> -> memref<64xi32, #tpu.memory_space<hbm>>
      tpu.enqueue_dma source(%dma_start3A_14 : memref<64xi32, #tpu.memory_space<hbm>>) target(%arg6 : memref<64xi32, #tpu.memory_space<vmem>>) target_semaphore(%run_scoped3A : memref<!tpu.dma_semaphore, #tpu.memory_space<semaphore_mem>>)
      %dma_wait3A_15 = tpu.memref_slice %arg3[%mul3A_2] : memref<2048xi32, #tpu.memory_space<hbm>> -> memref<64xi32, #tpu.memory_space<hbm>>
      %dma_wait3A_16 = tpu.memref_slice %arg3[%mul3A_2] : memref<2048xi32, #tpu.memory_space<hbm>> -> memref<64xi32, #tpu.memory_space<hbm>>
      tpu.wait_dma2 semaphore(%run_scoped3A : memref<!tpu.dma_semaphore, #tpu.memory_space<semaphore_mem>>) src(%dma_wait3A_16 : memref<64xi32, #tpu.memory_space<hbm>>) dst(%arg6 : memref<64xi32, #tpu.memory_space<vmem>>)
      tpu.yield
    }) : () -> ()
    "tpu.region"() ({
      %run_scoped3A = tpu.sem_alloc : memref<!tpu.dma_semaphore, #tpu.memory_space<semaphore_mem>>
      %dma_start3A_13 = tpu.memref_slice %arg4[%mul3A_2] : memref<2048xi32, #tpu.memory_space<hbm>> -> memref<64xi32, #tpu.memory_space<hbm>>
      %dma_start3A_14 = tpu.memref_slice %arg4[%mul3A_2] : memref<2048xi32, #tpu.memory_space<hbm>> -> memref<64xi32, #tpu.memory_space<hbm>>
      tpu.enqueue_dma source(%dma_start3A_14 : memref<64xi32, #tpu.memory_space<hbm>>) target(%arg7 : memref<64xi32, #tpu.memory_space<vmem>>) target_semaphore(%run_scoped3A : memref<!tpu.dma_semaphore, #tpu.memory_space<semaphore_mem>>)
      %dma_wait3A_15 = tpu.memref_slice %arg4[%mul3A_2] : memref<2048xi32, #tpu.memory_space<hbm>> -> memref<64xi32, #tpu.memory_space<hbm>>
      %dma_wait3A_16 = tpu.memref_slice %arg4[%mul3A_2] : memref<2048xi32, #tpu.memory_space<hbm>> -> memref<64xi32, #tpu.memory_space<hbm>>
      tpu.wait_dma2 semaphore(%run_scoped3A : memref<!tpu.dma_semaphore, #tpu.memory_space<semaphore_mem>>) src(%dma_wait3A_16 : memref<64xi32, #tpu.memory_space<hbm>>) dst(%arg7 : memref<64xi32, #tpu.memory_space<vmem>>)
      tpu.yield
    }) : () -> ()
    "tpu.region"() ({
      %run_scoped3A = tpu.sem_alloc : memref<!tpu.dma_semaphore, #tpu.memory_space<semaphore_mem>>
      %dma_start3A_13 = arith.constant 0 : i32
      %dma_start3A_14 = tpu.memref_slice %arg2[%mul3A_2, %dma_start3A_13] : memref<2048x768xf32, #tpu.memory_space<hbm>> -> memref<64x768xf32, #tpu.memory_space<hbm>>
      %dma_start3A_15 = arith.constant 0 : i32
      %dma_start3A_16 = tpu.memref_slice %arg2[%mul3A_2, %dma_start3A_15] : memref<2048x768xf32, #tpu.memory_space<hbm>> -> memref<64x768xf32, #tpu.memory_space<hbm>>
      tpu.enqueue_dma source(%dma_start3A_16 : memref<64x768xf32, #tpu.memory_space<hbm>>) target(%arg8 : memref<64x768xf32, #tpu.memory_space<vmem>>) target_semaphore(%run_scoped3A : memref<!tpu.dma_semaphore, #tpu.memory_space<semaphore_mem>>)
      %dma_wait3A_17 = arith.constant 0 : i32
      %dma_wait3A_18 = tpu.memref_slice %arg2[%mul3A_2, %dma_wait3A_17] : memref<2048x768xf32, #tpu.memory_space<hbm>> -> memref<64x768xf32, #tpu.memory_space<hbm>>
      %dma_wait3A_19 = arith.constant 0 : i32
      %dma_wait3A_20 = tpu.memref_slice %arg2[%mul3A_2, %dma_wait3A_19] : memref<2048x768xf32, #tpu.memory_space<hbm>> -> memref<64x768xf32, #tpu.memory_space<hbm>>
      tpu.wait_dma2 semaphore(%run_scoped3A : memref<!tpu.dma_semaphore, #tpu.memory_space<semaphore_mem>>) src(%dma_wait3A_20 : memref<64x768xf32, #tpu.memory_space<hbm>>) dst(%arg8 : memref<64x768xf32, #tpu.memory_space<vmem>>)
      tpu.yield
    }) : () -> ()
    %dma_start3A = arith.constant 0 : i32
    %dma_start3A_3 = arith.constant 0 : i32
    %dma_start3A_4 = tpu.memref_slice %arg5[%dma_start3A, %dma_start3A_3] : memref<8192x768xf32, #tpu.memory_space<hbm>> -> memref<8192x768xf32, #tpu.memory_space<hbm>>
    tpu.enqueue_indirect_dma source(%arg8 : memref<64x768xf32, #tpu.memory_space<vmem>>) target(%dma_start3A_4 : memref<8192x768xf32, #tpu.memory_space<hbm>>) offsets(%arg6 : memref<64xi32, #tpu.memory_space<vmem>>) semaphore(%arg9 : memref<!tpu.dma_semaphore, #tpu.memory_space<semaphore_mem>>)
    %dma_start3A_5 = arith.constant 0 : i32
    %dma_start3A_6 = arith.constant 0 : i32
    %dma_start3A_7 = tpu.memref_slice %arg5[%dma_start3A_5, %dma_start3A_6] : memref<8192x768xf32, #tpu.memory_space<hbm>> -> memref<8192x768xf32, #tpu.memory_space<hbm>>
    tpu.enqueue_indirect_dma source(%arg8 : memref<64x768xf32, #tpu.memory_space<vmem>>) target(%dma_start3A_7 : memref<8192x768xf32, #tpu.memory_space<hbm>>) offsets(%arg7 : memref<64xi32, #tpu.memory_space<vmem>>) semaphore(%arg9 : memref<!tpu.dma_semaphore, #tpu.memory_space<semaphore_mem>>)
    %dma_wait3A = arith.constant 0 : i32
    %dma_wait3A_8 = arith.constant 0 : i32
    %dma_wait3A_9 = tpu.memref_slice %arg5[%dma_wait3A, %dma_wait3A_8] : memref<8192x768xf32, #tpu.memory_space<hbm>> -> memref<8192x768xf32, #tpu.memory_space<hbm>>
    tpu.wait_indirect_dma semaphore(%arg9 : memref<!tpu.dma_semaphore, #tpu.memory_space<semaphore_mem>>) src(%arg8 : memref<64x768xf32, #tpu.memory_space<vmem>>) dst(%dma_wait3A_9 : memref<8192x768xf32, #tpu.memory_space<hbm>>)
    %dma_wait3A_10 = arith.constant 0 : i32
    %dma_wait3A_11 = arith.constant 0 : i32
    %dma_wait3A_12 = tpu.memref_slice %arg5[%dma_wait3A_10, %dma_wait3A_11] : memref<8192x768xf32, #tpu.memory_space<hbm>> -> memref<8192x768xf32, #tpu.memory_space<hbm>>
    tpu.wait_indirect_dma semaphore(%arg9 : memref<!tpu.dma_semaphore, #tpu.memory_space<semaphore_mem>>) src(%arg8 : memref<64x768xf32, #tpu.memory_space<vmem>>) dst(%dma_wait3A_12 : memref<8192x768xf32, #tpu.memory_space<hbm>>)
    return
  }
}

module attributes {stable_mosaic.version = 14 : i64} {
  func.func @_combine_body(%arg0: i32, %arg1: memref<1024x768xf32, #tpu.memory_space<vmem>>, %arg2: memref<1024x1xf32, #tpu.memory_space<vmem>>, %arg3: memref<1024x1xf32, #tpu.memory_space<vmem>>, %arg4: memref<1024x768xf32, #tpu.memory_space<vmem>>, %arg5: memref<1024x768xf32, #tpu.memory_space<vmem>>, %arg6: memref<1024x768xf32, #tpu.memory_space<vmem>>) attributes {dimension_semantics = [#tpu.dimension_semantics<arbitrary>], iteration_bounds = array<i64: 2>, scalar_prefetch = 0 : i64, scratch_operands = 0 : i64, tpu.core_type = #tpu.core_type<tc>, window_params = [{transform_indices = @transform_0, window_bounds = array<i64: 1024, 768>}, {transform_indices = @transform_1, window_bounds = array<i64: 1024, 1>}, {transform_indices = @transform_2, window_bounds = array<i64: 1024, 1>}, {transform_indices = @transform_3, window_bounds = array<i64: 1024, 768>}, {transform_indices = @transform_4, window_bounds = array<i64: 1024, 768>}, {transform_indices = @transform_5, window_bounds = array<i64: 1024, 768>}]} {
    %get3A = arith.constant 0 : index
    %get3A_0 = arith.constant 0 : index
    %get3A_1 = vector.load %arg1[%get3A, %get3A_0] : memref<1024x768xf32, #tpu.memory_space<vmem>>, vector<1024x768xf32>
    %get3A_2 = arith.constant 0 : index
    %get3A_3 = arith.constant 0 : index
    %get3A_4 = vector.load %arg2[%get3A_2, %get3A_3] : memref<1024x1xf32, #tpu.memory_space<vmem>>, vector<1024x1xf32>
    %get3A_5 = arith.constant 0 : index
    %get3A_6 = arith.constant 0 : index
    %get3A_7 = vector.load %arg4[%get3A_5, %get3A_6] : memref<1024x768xf32, #tpu.memory_space<vmem>>, vector<1024x768xf32>
    %mul3A = vector.broadcast %get3A_4 : vector<1024x1xf32> to vector<1024x768xf32>
    %mul3A_8 = arith.mulf %mul3A, %get3A_7 : vector<1024x768xf32>
    %add3A = arith.addf %get3A_1, %mul3A_8 : vector<1024x768xf32>
    %get3A_9 = arith.constant 0 : index
    %get3A_10 = arith.constant 0 : index
    %get3A_11 = vector.load %arg3[%get3A_9, %get3A_10] : memref<1024x1xf32, #tpu.memory_space<vmem>>, vector<1024x1xf32>
    %get3A_12 = arith.constant 0 : index
    %get3A_13 = arith.constant 0 : index
    %get3A_14 = vector.load %arg5[%get3A_12, %get3A_13] : memref<1024x768xf32, #tpu.memory_space<vmem>>, vector<1024x768xf32>
    %mul3A_15 = vector.broadcast %get3A_11 : vector<1024x1xf32> to vector<1024x768xf32>
    %mul3A_16 = arith.mulf %mul3A_15, %get3A_14 : vector<1024x768xf32>
    %add3A_17 = arith.addf %add3A, %mul3A_16 : vector<1024x768xf32>
    %swap3A = arith.constant 0 : index
    %swap3A_18 = arith.constant 0 : index
    %swap3A_19 = vector.load %arg6[%swap3A, %swap3A_18] : memref<1024x768xf32, #tpu.memory_space<vmem>>, vector<1024x768xf32>
    tpu.vector_store %arg6[%swap3A, %swap3A_18], %add3A_17 {strides = array<i32>} : memref<1024x768xf32, #tpu.memory_space<vmem>>, vector<1024x768xf32>,
    return
  }
  func.func @transform_0(%arg0: i32) -> (i32, i32) {
    %c0_i32 = arith.constant 0 : i32
    %c0_i32_0 = arith.constant 0 : i32
    return %arg0, %c0_i32 : i32, i32
  }
  func.func @transform_1(%arg0: i32) -> (i32, i32) {
    %c0_i32 = arith.constant 0 : i32
    %c0_i32_0 = arith.constant 0 : i32
    return %arg0, %c0_i32 : i32, i32
  }
  func.func @transform_2(%arg0: i32) -> (i32, i32) {
    %c0_i32 = arith.constant 0 : i32
    %c0_i32_0 = arith.constant 0 : i32
    return %arg0, %c0_i32 : i32, i32
  }
  func.func @transform_3(%arg0: i32) -> (i32, i32) {
    %c0_i32 = arith.constant 0 : i32
    %c0_i32_0 = arith.constant 0 : i32
    return %arg0, %c0_i32 : i32, i32
  }
  func.func @transform_4(%arg0: i32) -> (i32, i32) {
    %c0_i32 = arith.constant 0 : i32
    %c0_i32_0 = arith.constant 0 : i32
    return %arg0, %c0_i32 : i32, i32
  }
  func.func @transform_5(%arg0: i32) -> (i32, i32) {
    %c0_i32 = arith.constant 0 : i32
    %c0_i32_0 = arith.constant 0 : i32
    return %arg0, %c0_i32 : i32, i32
  }
}

module attributes {stable_mosaic.version = 14 : i64} {
  func.func @_gmm_body(%arg0: i32, %arg1: memref<16xi32, #tpu.memory_space<smem>>, %arg2: memref<8xi32, #tpu.memory_space<smem>>, %arg3: memref<512x768xf32, #tpu.memory_space<vmem>>, %arg4: memref<1x768x1536xf32, #tpu.memory_space<vmem>>, %arg5: memref<8x1536xf32, #tpu.memory_space<vmem>>, %arg6: memref<1x1536x768xf32, #tpu.memory_space<vmem>>, %arg7: memref<8x768xf32, #tpu.memory_space<vmem>>, %arg8: memref<512x768xf32, #tpu.memory_space<vmem>>) attributes {dimension_semantics = [#tpu.dimension_semantics<arbitrary>], iteration_bounds = array<i64: 16>, scalar_prefetch = 2 : i64, scratch_operands = 0 : i64, tpu.core_type = #tpu.core_type<tc>, window_params = [{transform_indices = @transform_0, window_bounds = array<i64: 512, 768>}, {transform_indices = @transform_1, window_bounds = array<i64: 1, 768, 1536>}, {pipeline_mode = #tpu.pipeline_mode<synchronous>, transform_indices = @transform_2, window_bounds = array<i64: 8, 1536>}, {transform_indices = @transform_3, window_bounds = array<i64: 1, 1536, 768>}, {pipeline_mode = #tpu.pipeline_mode<synchronous>, transform_indices = @transform_4, window_bounds = array<i64: 8, 768>}, {transform_indices = @transform_5, window_bounds = array<i64: 512, 768>}]} {
    %get3A = arith.index_cast %arg0 : i32 to index
    %get3A_0 = memref.load %arg1[%get3A] : memref<16xi32, #tpu.memory_space<smem>>
    %mul3A = arith.constant 512 : i32
    %mul3A_1 = arith.muli %arg0, %mul3A : i32
    %get3A_2 = arith.index_cast %get3A_0 : i32 to index
    %get3A_3 = memref.load %arg2[%get3A_2] : memref<8xi32, #tpu.memory_space<smem>>
    %lt3A = arith.cmpi slt, %mul3A_1, %get3A_3 : i32
    %convert_element_type3A = arith.extui %lt3A : i1 to i32
    %cond3A = arith.constant 0 : i32
    %cond3A_4 = arith.cmpi ne, %convert_element_type3A, %cond3A : i32
    scf.if %cond3A_4 {
      %get3A_5 = arith.constant 0 : index
      %get3A_6 = arith.constant 0 : index
      %get3A_7 = vector.load %arg3[%get3A_5, %get3A_6] : memref<512x768xf32, #tpu.memory_space<vmem>>, vector<512x768xf32>
      %convert_element_type3A_8 = arith.truncf %get3A_7 : vector<512x768xf32> to vector<512x768xbf16>
      %get3A_9 = arith.constant 0 : index
      %get3A_10 = arith.constant 0 : index
      %get3A_11 = arith.constant 0 : index
      %get3A_12 = vector.load %arg4[%get3A_9, %get3A_10, %get3A_11] : memref<1x768x1536xf32, #tpu.memory_space<vmem>>, vector<1x768x1536xf32>
      %get3A_13 = vector.shape_cast %get3A_12 : vector<1x768x1536xf32> to vector<768x1536xf32>
      %convert_element_type3A_14 = arith.truncf %get3A_13 : vector<768x1536xf32> to vector<768x1536xbf16>
      %dot_general3A = arith.constant dense<0.000000e+00> : vector<512x1536xf32>
      %dot_general3A_15 = tpu.matmul %convert_element_type3A_8, %convert_element_type3A_14, %dot_general3A {dimension_numbers = #tpu.dot_dimension_numbers<[1], [0], [0], [1], [0, 0, 1, 1], [], []>, transpose_lhs_hint = false} : vector<512x768xbf16>, vector<768x1536xbf16>, vector<512x1536xf32> -> vector<512x1536xf32>
      %get3A_16 = arith.index_cast %get3A_0 : i32 to index
      %get3A_17 = arith.constant 0 : index
      %get3A_18 = vector.load %arg5[%get3A_16, %get3A_17] : memref<8x1536xf32, #tpu.memory_space<vmem>>, vector<1x1536xf32>
      %add3A = vector.broadcast %get3A_18 : vector<1x1536xf32> to vector<512x1536xf32>
      %add3A_19 = arith.addf %dot_general3A_15, %add3A : vector<512x1536xf32>
      %mul3A_20 = arith.constant 5.000000e-01 : f32
      %mul3A_21 = vector.broadcast %mul3A_20 : f32 to vector<512x1536xf32>
      %mul3A_22 = arith.mulf %mul3A_21, %add3A_19 : vector<512x1536xf32>
      %mul3A_23 = arith.constant 0.707106769 : f32
      %mul3A_24 = vector.broadcast %mul3A_23 : f32 to vector<512x1536xf32>
      %mul3A_25 = arith.mulf %add3A_19, %mul3A_24 : vector<512x1536xf32>
      %erf3A = math.erf %mul3A_25 : vector<512x1536xf32>
      %add3A_26 = arith.constant 1.000000e+00 : f32
      %add3A_27 = vector.broadcast %add3A_26 : f32 to vector<512x1536xf32>
      %add3A_28 = arith.addf %add3A_27, %erf3A : vector<512x1536xf32>
      %mul3A_29 = arith.mulf %mul3A_22, %add3A_28 : vector<512x1536xf32>
      %convert_element_type3A_30 = arith.truncf %mul3A_29 : vector<512x1536xf32> to vector<512x1536xbf16>
      %get3A_31 = arith.constant 0 : index
      %get3A_32 = arith.constant 0 : index
      %get3A_33 = arith.constant 0 : index
      %get3A_34 = vector.load %arg6[%get3A_31, %get3A_32, %get3A_33] : memref<1x1536x768xf32, #tpu.memory_space<vmem>>, vector<1x1536x768xf32>
      %get3A_35 = vector.shape_cast %get3A_34 : vector<1x1536x768xf32> to vector<1536x768xf32>
      %convert_element_type3A_36 = arith.truncf %get3A_35 : vector<1536x768xf32> to vector<1536x768xbf16>
      %dot_general3A_37 = arith.constant dense<0.000000e+00> : vector<512x768xf32>
      %dot_general3A_38 = tpu.matmul %convert_element_type3A_30, %convert_element_type3A_36, %dot_general3A_37 {dimension_numbers = #tpu.dot_dimension_numbers<[1], [0], [0], [1], [0, 0, 1, 1], [], []>, transpose_lhs_hint = false} : vector<512x1536xbf16>, vector<1536x768xbf16>, vector<512x768xf32> -> vector<512x768xf32>
      %get3A_39 = arith.index_cast %get3A_0 : i32 to index
      %get3A_40 = arith.constant 0 : index
      %get3A_41 = vector.load %arg7[%get3A_39, %get3A_40] : memref<8x768xf32, #tpu.memory_space<vmem>>, vector<1x768xf32>
      %add3A_42 = vector.broadcast %get3A_41 : vector<1x768xf32> to vector<512x768xf32>
      %add3A_43 = arith.addf %dot_general3A_38, %add3A_42 : vector<512x768xf32>
      %swap3A = arith.constant 0 : index
      %swap3A_44 = arith.constant 0 : index
      %swap3A_45 = vector.load %arg8[%swap3A, %swap3A_44] : memref<512x768xf32, #tpu.memory_space<vmem>>, vector<512x768xf32>
      tpu.vector_store %arg8[%swap3A, %swap3A_44], %add3A_43 {strides = array<i32>} : memref<512x768xf32, #tpu.memory_space<vmem>>, vector<512x768xf32>,
    } else {
    }
    return
  }
  func.func @transform_0(%arg0: i32, %arg1: memref<16xi32, #tpu.memory_space<smem>>, %arg2: memref<8xi32, #tpu.memory_space<smem>>) -> (i32, i32) {
    %c0_i32 = arith.constant 0 : i32
    %c0_i32_0 = arith.constant 0 : i32
    return %arg0, %c0_i32 : i32, i32
  }
  func.func @transform_1(%arg0: i32, %arg1: memref<16xi32, #tpu.memory_space<smem>>, %arg2: memref<8xi32, #tpu.memory_space<smem>>) -> (i32, i32, i32) {
    %get3A = arith.index_cast %arg0 : i32 to index
    %get3A_0 = memref.load %arg1[%get3A] : memref<16xi32, #tpu.memory_space<smem>>
    %c0_i32 = arith.constant 0 : i32
    %c0_i32_1 = arith.constant 0 : i32
    %c0_i32_2 = arith.constant 0 : i32
    return %get3A_0, %c0_i32, %c0_i32_1 : i32, i32, i32
  }
  func.func @transform_2(%arg0: i32, %arg1: memref<16xi32, #tpu.memory_space<smem>>, %arg2: memref<8xi32, #tpu.memory_space<smem>>) -> (i32, i32) {
    %c0_i32 = arith.constant 0 : i32
    %c0_i32_0 = arith.constant 0 : i32
    %c0_i32_1 = arith.constant 0 : i32
    return %c0_i32, %c0_i32_0 : i32, i32
  }
  func.func @transform_3(%arg0: i32, %arg1: memref<16xi32, #tpu.memory_space<smem>>, %arg2: memref<8xi32, #tpu.memory_space<smem>>) -> (i32, i32, i32) {
    %get3A = arith.index_cast %arg0 : i32 to index
    %get3A_0 = memref.load %arg1[%get3A] : memref<16xi32, #tpu.memory_space<smem>>
    %c0_i32 = arith.constant 0 : i32
    %c0_i32_1 = arith.constant 0 : i32
    %c0_i32_2 = arith.constant 0 : i32
    return %get3A_0, %c0_i32, %c0_i32_1 : i32, i32, i32
  }
  func.func @transform_4(%arg0: i32, %arg1: memref<16xi32, #tpu.memory_space<smem>>, %arg2: memref<8xi32, #tpu.memory_space<smem>>) -> (i32, i32) {
    %c0_i32 = arith.constant 0 : i32
    %c0_i32_0 = arith.constant 0 : i32
    %c0_i32_1 = arith.constant 0 : i32
    return %c0_i32, %c0_i32_0 : i32, i32
  }
  func.func @transform_5(%arg0: i32, %arg1: memref<16xi32, #tpu.memory_space<smem>>, %arg2: memref<8xi32, #tpu.memory_space<smem>>) -> (i32, i32) {
    %c0_i32 = arith.constant 0 : i32
    %c0_i32_0 = arith.constant 0 : i32
    return %arg0, %c0_i32 : i32, i32
  }
}

module attributes {stable_mosaic.version = 14 : i64} {
  func.func @_route_body(%arg0: i32, %arg1: memref<2048x768xf32, #tpu.memory_space<vmem>>, %arg2: memref<768x8xf32, #tpu.memory_space<vmem>>, %arg3: memref<8xf32, #tpu.memory_space<vmem>>, %arg4: memref<2048x1xf32, #tpu.memory_space<vmem>>, %arg5: memref<2048x1xf32, #tpu.memory_space<vmem>>, %arg6: memref<2048xi32, #tpu.memory_space<vmem>>, %arg7: memref<2048xi32, #tpu.memory_space<vmem>>, %arg8: memref<16xi32, #tpu.memory_space<vmem>>, %arg9: memref<8xi32, #tpu.memory_space<vmem>>) attributes {dimension_semantics = [#tpu.dimension_semantics<arbitrary>], iteration_bounds = array<i64: 1>, scalar_prefetch = 0 : i64, scratch_operands = 0 : i64, tpu.core_type = #tpu.core_type<tc>, window_params = [{pipeline_mode = #tpu.pipeline_mode<synchronous>, transform_indices = @transform_0, window_bounds = array<i64: 2048, 768>}, {pipeline_mode = #tpu.pipeline_mode<synchronous>, transform_indices = @transform_1, window_bounds = array<i64: 768, 8>}, {pipeline_mode = #tpu.pipeline_mode<synchronous>, transform_indices = @transform_2, window_bounds = array<i64: 8>}, {pipeline_mode = #tpu.pipeline_mode<synchronous>, transform_indices = @transform_3, window_bounds = array<i64: 2048, 1>}, {pipeline_mode = #tpu.pipeline_mode<synchronous>, transform_indices = @transform_4, window_bounds = array<i64: 2048, 1>}, {pipeline_mode = #tpu.pipeline_mode<synchronous>, transform_indices = @transform_5, window_bounds = array<i64: 2048>}, {pipeline_mode = #tpu.pipeline_mode<synchronous>, transform_indices = @transform_6, window_bounds = array<i64: 2048>}, {pipeline_mode = #tpu.pipeline_mode<synchronous>, transform_indices = @transform_7, window_bounds = array<i64: 16>}, {pipeline_mode = #tpu.pipeline_mode<synchronous>, transform_indices = @transform_8, window_bounds = array<i64: 8>}]} {
    %get3A = arith.constant 0 : index
    %get3A_0 = arith.constant 0 : index
    %get3A_1 = vector.load %arg1[%get3A, %get3A_0] : memref<2048x768xf32, #tpu.memory_space<vmem>>, vector<2048x768xf32>
    %get3A_2 = arith.constant 0 : index
    %get3A_3 = arith.constant 0 : index
    %get3A_4 = vector.load %arg2[%get3A_2, %get3A_3] : memref<768x8xf32, #tpu.memory_space<vmem>>, vector<768x8xf32>
    %dot_general3A = arith.constant dense<0.000000e+00> : vector<2048x8xf32>
    %dot_general3A_5 = tpu.matmul %get3A_1, %get3A_4, %dot_general3A {dimension_numbers = #tpu.dot_dimension_numbers<[1], [0], [0], [1], [0, 0, 1, 1], [], []>, transpose_lhs_hint = false} : vector<2048x768xf32>, vector<768x8xf32>, vector<2048x8xf32> -> vector<2048x8xf32>
    %get3A_6 = arith.constant 0 : index
    %get3A_7 = vector.load %arg3[%get3A_6] : memref<8xf32, #tpu.memory_space<vmem>>, vector<8xf32>
    %broadcast_in_dim3A = vector.shape_cast %get3A_7 : vector<8xf32> to vector<1x8xf32>
    %add3A = vector.broadcast %broadcast_in_dim3A : vector<1x8xf32> to vector<2048x8xf32>
    %add3A_8 = arith.addf %dot_general3A_5, %add3A : vector<2048x8xf32>
    %reduce_max3A = arith.constant dense<0xFF800000> : vector<2048xf32>
    %reduce_max3A_9 = vector.multi_reduction <maximumf>, %add3A_8, %reduce_max3A [1] : vector<2048x8xf32> to vector<2048xf32>
    %broadcast_in_dim3A_10 = vector.shape_cast %reduce_max3A_9 : vector<2048xf32> to vector<2048x1xf32>
    %sub3A = vector.broadcast %broadcast_in_dim3A_10 : vector<2048x1xf32> to vector<2048x8xf32>
    %sub3A_11 = arith.subf %add3A_8, %sub3A : vector<2048x8xf32>
    %exp3A = math.exp %sub3A_11 : vector<2048x8xf32>
    %reduce_sum3A = arith.constant dense<0.000000e+00> : vector<2048xf32>
    %reduce_sum3A_12 = vector.multi_reduction <add>, %exp3A, %reduce_sum3A [1] : vector<2048x8xf32> to vector<2048xf32>
    %broadcast_in_dim3A_13 = vector.shape_cast %reduce_sum3A_12 : vector<2048xf32> to vector<2048x1xf32>
    %div3A = vector.broadcast %broadcast_in_dim3A_13 : vector<2048x1xf32> to vector<2048x8xf32>
    %div3A_14 = arith.divf %exp3A, %div3A : vector<2048x8xf32>
    %iota3A = tpu.iota {dimensions = array<i32: 1>} : vector<2048x8xi32>
    %reduce_max3A_15 = arith.constant dense<0xFF800000> : vector<2048xf32>
    %reduce_max3A_16 = vector.multi_reduction <maximumf>, %div3A_14, %reduce_max3A_15 [1] : vector<2048x8xf32> to vector<2048xf32>
    %broadcast_in_dim3A_17 = vector.shape_cast %reduce_max3A_16 : vector<2048xf32> to vector<2048x1xf32>
    %eq3A = vector.broadcast %broadcast_in_dim3A_17 : vector<2048x1xf32> to vector<2048x8xf32>
    %eq3A_18 = arith.cmpf oeq, %div3A_14, %eq3A : vector<2048x8xf32>
    %jit3A = arith.constant 8 : i32
    %broadcast_in_dim3A_19 = vector.broadcast %jit3A : i32 to vector<2048x8xi32>
    %select_n3A = arith.select %eq3A_18, %iota3A, %broadcast_in_dim3A_19 : vector<2048x8xi1>, vector<2048x8xi32>
    %reduce_min3A = arith.constant dense<2147483647> : vector<2048xi32>
    %reduce_min3A_20 = vector.multi_reduction <minsi>, %select_n3A, %reduce_min3A [1] : vector<2048x8xi32> to vector<2048xi32>
    %broadcast_in_dim3A_21 = vector.shape_cast %reduce_min3A_20 : vector<2048xi32> to vector<2048x1xi32>
    %eq3A_22 = vector.broadcast %broadcast_in_dim3A_21 : vector<2048x1xi32> to vector<2048x8xi32>
    %eq3A_23 = arith.cmpi eq, %iota3A, %eq3A_22 : vector<2048x8xi32>
    %jit3A_24 = arith.constant 0xFF800000 : f32
    %broadcast_in_dim3A_25 = vector.broadcast %jit3A_24 : f32 to vector<2048x8xf32>
    %select_n3A_26 = arith.select %eq3A_23, %broadcast_in_dim3A_25, %div3A_14 : vector<2048x8xi1>, vector<2048x8xf32>
    %reduce_max3A_27 = arith.constant dense<0xFF800000> : vector<2048xf32>
    %reduce_max3A_28 = vector.multi_reduction <maximumf>, %select_n3A_26, %reduce_max3A_27 [1] : vector<2048x8xf32> to vector<2048xf32>
    %broadcast_in_dim3A_29 = vector.shape_cast %reduce_max3A_28 : vector<2048xf32> to vector<2048x1xf32>
    %eq3A_30 = vector.broadcast %broadcast_in_dim3A_29 : vector<2048x1xf32> to vector<2048x8xf32>
    %eq3A_31 = arith.cmpf oeq, %select_n3A_26, %eq3A_30 : vector<2048x8xf32>
    %jit3A_32 = arith.constant 8 : i32
    %broadcast_in_dim3A_33 = vector.broadcast %jit3A_32 : i32 to vector<2048x8xi32>
    %select_n3A_34 = arith.select %eq3A_31, %iota3A, %broadcast_in_dim3A_33 : vector<2048x8xi1>, vector<2048x8xi32>
    %reduce_min3A_35 = arith.constant dense<2147483647> : vector<2048xi32>
    %reduce_min3A_36 = vector.multi_reduction <minsi>, %select_n3A_34, %reduce_min3A_35 [1] : vector<2048x8xi32> to vector<2048xi32>
    %broadcast_in_dim3A_37 = vector.shape_cast %reduce_min3A_36 : vector<2048xi32> to vector<2048x1xi32>
    %eq3A_38 = vector.broadcast %broadcast_in_dim3A_37 : vector<2048x1xi32> to vector<2048x8xi32>
    %eq3A_39 = arith.cmpi eq, %iota3A, %eq3A_38 : vector<2048x8xi32>
    %add3A_40 = arith.addf %broadcast_in_dim3A_17, %broadcast_in_dim3A_29 : vector<2048x1xf32>
    %div3A_41 = arith.divf %broadcast_in_dim3A_17, %add3A_40 : vector<2048x1xf32>
    %swap3A = arith.constant 0 : index
    %swap3A_42 = arith.constant 0 : index
    %swap3A_43 = vector.load %arg4[%swap3A, %swap3A_42] : memref<2048x1xf32, #tpu.memory_space<vmem>>, vector<2048x1xf32>
    tpu.vector_store %arg4[%swap3A, %swap3A_42], %div3A_41 {strides = array<i32>} : memref<2048x1xf32, #tpu.memory_space<vmem>>, vector<2048x1xf32>,
    %div3A_44 = arith.divf %broadcast_in_dim3A_29, %add3A_40 : vector<2048x1xf32>
    %swap3A_45 = arith.constant 0 : index
    %swap3A_46 = arith.constant 0 : index
    %swap3A_47 = vector.load %arg5[%swap3A_45, %swap3A_46] : memref<2048x1xf32, #tpu.memory_space<vmem>>, vector<2048x1xf32>
    tpu.vector_store %arg5[%swap3A_45, %swap3A_46], %div3A_44 {strides = array<i32>} : memref<2048x1xf32, #tpu.memory_space<vmem>>, vector<2048x1xf32>,
    %convert_element_type3A = arith.extui %eq3A_23 : vector<2048x8xi1> to vector<2048x8xi32>
    %convert_element_type3A_48 = arith.sitofp %convert_element_type3A : vector<2048x8xi32> to vector<2048x8xf32>
    %convert_element_type3A_49 = arith.extui %eq3A_39 : vector<2048x8xi1> to vector<2048x8xi32>
    %convert_element_type3A_50 = arith.sitofp %convert_element_type3A_49 : vector<2048x8xi32> to vector<2048x8xf32>
    %broadcast_in_dim3A_51 = arith.constant 0.000000e+00 : f32
    %broadcast_in_dim3A_52 = vector.broadcast %broadcast_in_dim3A_51 : f32 to vector<1x8xf32>
    %slice3A = vector.extract_strided_slice %convert_element_type3A_48 {offsets = [0, 0], sizes = [2047, 8], strides = [1, 1]} : vector<2048x8xf32> to vector<2047x8xf32>
    %concatenate3A = tpu.concatenate %broadcast_in_dim3A_52, %slice3A in 0 : vector<1x8xf32>, vector<2047x8xf32> -> vector<2048x8xf32>
    %add3A_53 = arith.addf %convert_element_type3A_48, %concatenate3A : vector<2048x8xf32>
    %broadcast_in_dim3A_54 = arith.constant 0.000000e+00 : f32
    %broadcast_in_dim3A_55 = vector.broadcast %broadcast_in_dim3A_54 : f32 to vector<2x8xf32>
    %slice3A_56 = vector.extract_strided_slice %add3A_53 {offsets = [0, 0], sizes = [2046, 8], strides = [1, 1]} : vector<2048x8xf32> to vector<2046x8xf32>
    %concatenate3A_57 = tpu.concatenate %broadcast_in_dim3A_55, %slice3A_56 in 0 : vector<2x8xf32>, vector<2046x8xf32> -> vector<2048x8xf32>
    %add3A_58 = arith.addf %add3A_53, %concatenate3A_57 : vector<2048x8xf32>
    %broadcast_in_dim3A_59 = arith.constant 0.000000e+00 : f32
    %broadcast_in_dim3A_60 = vector.broadcast %broadcast_in_dim3A_59 : f32 to vector<4x8xf32>
    %slice3A_61 = vector.extract_strided_slice %add3A_58 {offsets = [0, 0], sizes = [2044, 8], strides = [1, 1]} : vector<2048x8xf32> to vector<2044x8xf32>
    %concatenate3A_62 = tpu.concatenate %broadcast_in_dim3A_60, %slice3A_61 in 0 : vector<4x8xf32>, vector<2044x8xf32> -> vector<2048x8xf32>
    %add3A_63 = arith.addf %add3A_58, %concatenate3A_62 : vector<2048x8xf32>
    %broadcast_in_dim3A_64 = arith.constant 0.000000e+00 : f32
    %broadcast_in_dim3A_65 = vector.broadcast %broadcast_in_dim3A_64 : f32 to vector<8x8xf32>
    %slice3A_66 = vector.extract_strided_slice %add3A_63 {offsets = [0, 0], sizes = [2040, 8], strides = [1, 1]} : vector<2048x8xf32> to vector<2040x8xf32>
    %concatenate3A_67 = tpu.concatenate %broadcast_in_dim3A_65, %slice3A_66 in 0 : vector<8x8xf32>, vector<2040x8xf32> -> vector<2048x8xf32>
    %add3A_68 = arith.addf %add3A_63, %concatenate3A_67 : vector<2048x8xf32>
    %broadcast_in_dim3A_69 = arith.constant 0.000000e+00 : f32
    %broadcast_in_dim3A_70 = vector.broadcast %broadcast_in_dim3A_69 : f32 to vector<16x8xf32>
    %slice3A_71 = vector.extract_strided_slice %add3A_68 {offsets = [0, 0], sizes = [2032, 8], strides = [1, 1]} : vector<2048x8xf32> to vector<2032x8xf32>
    %concatenate3A_72 = tpu.concatenate %broadcast_in_dim3A_70, %slice3A_71 in 0 : vector<16x8xf32>, vector<2032x8xf32> -> vector<2048x8xf32>
    %add3A_73 = arith.addf %add3A_68, %concatenate3A_72 : vector<2048x8xf32>
    %broadcast_in_dim3A_74 = arith.constant 0.000000e+00 : f32
    %broadcast_in_dim3A_75 = vector.broadcast %broadcast_in_dim3A_74 : f32 to vector<32x8xf32>
    %slice3A_76 = vector.extract_strided_slice %add3A_73 {offsets = [0, 0], sizes = [2016, 8], strides = [1, 1]} : vector<2048x8xf32> to vector<2016x8xf32>
    %concatenate3A_77 = tpu.concatenate %broadcast_in_dim3A_75, %slice3A_76 in 0 : vector<32x8xf32>, vector<2016x8xf32> -> vector<2048x8xf32>
    %add3A_78 = arith.addf %add3A_73, %concatenate3A_77 : vector<2048x8xf32>
    %broadcast_in_dim3A_79 = arith.constant 0.000000e+00 : f32
    %broadcast_in_dim3A_80 = vector.broadcast %broadcast_in_dim3A_79 : f32 to vector<64x8xf32>
    %slice3A_81 = vector.extract_strided_slice %add3A_78 {offsets = [0, 0], sizes = [1984, 8], strides = [1, 1]} : vector<2048x8xf32> to vector<1984x8xf32>
    %concatenate3A_82 = tpu.concatenate %broadcast_in_dim3A_80, %slice3A_81 in 0 : vector<64x8xf32>, vector<1984x8xf32> -> vector<2048x8xf32>
    %add3A_83 = arith.addf %add3A_78, %concatenate3A_82 : vector<2048x8xf32>
    %broadcast_in_dim3A_84 = arith.constant 0.000000e+00 : f32
    %broadcast_in_dim3A_85 = vector.broadcast %broadcast_in_dim3A_84 : f32 to vector<128x8xf32>
    %slice3A_86 = vector.extract_strided_slice %add3A_83 {offsets = [0, 0], sizes = [1920, 8], strides = [1, 1]} : vector<2048x8xf32> to vector<1920x8xf32>
    %concatenate3A_87 = tpu.concatenate %broadcast_in_dim3A_85, %slice3A_86 in 0 : vector<128x8xf32>, vector<1920x8xf32> -> vector<2048x8xf32>
    %add3A_88 = arith.addf %add3A_83, %concatenate3A_87 : vector<2048x8xf32>
    %broadcast_in_dim3A_89 = arith.constant 0.000000e+00 : f32
    %broadcast_in_dim3A_90 = vector.broadcast %broadcast_in_dim3A_89 : f32 to vector<256x8xf32>
    %slice3A_91 = vector.extract_strided_slice %add3A_88 {offsets = [0, 0], sizes = [1792, 8], strides = [1, 1]} : vector<2048x8xf32> to vector<1792x8xf32>
    %concatenate3A_92 = tpu.concatenate %broadcast_in_dim3A_90, %slice3A_91 in 0 : vector<256x8xf32>, vector<1792x8xf32> -> vector<2048x8xf32>
    %add3A_93 = arith.addf %add3A_88, %concatenate3A_92 : vector<2048x8xf32>
    %broadcast_in_dim3A_94 = arith.constant 0.000000e+00 : f32
    %broadcast_in_dim3A_95 = vector.broadcast %broadcast_in_dim3A_94 : f32 to vector<512x8xf32>
    %slice3A_96 = vector.extract_strided_slice %add3A_93 {offsets = [0, 0], sizes = [1536, 8], strides = [1, 1]} : vector<2048x8xf32> to vector<1536x8xf32>
    %concatenate3A_97 = tpu.concatenate %broadcast_in_dim3A_95, %slice3A_96 in 0 : vector<512x8xf32>, vector<1536x8xf32> -> vector<2048x8xf32>
    %add3A_98 = arith.addf %add3A_93, %concatenate3A_97 : vector<2048x8xf32>
    %broadcast_in_dim3A_99 = arith.constant 0.000000e+00 : f32
    %broadcast_in_dim3A_100 = vector.broadcast %broadcast_in_dim3A_99 : f32 to vector<1024x8xf32>
    %slice3A_101 = vector.extract_strided_slice %add3A_98 {offsets = [0, 0], sizes = [1024, 8], strides = [1, 1]} : vector<2048x8xf32> to vector<1024x8xf32>
    %concatenate3A_102 = tpu.concatenate %broadcast_in_dim3A_100, %slice3A_101 in 0 : vector<1024x8xf32>, vector<1024x8xf32> -> vector<2048x8xf32>
    %add3A_103 = arith.addf %add3A_98, %concatenate3A_102 : vector<2048x8xf32>
    %sub3A_104 = arith.subf %add3A_103, %convert_element_type3A_48 : vector<2048x8xf32>
    %reduce_sum3A_105 = arith.constant dense<0.000000e+00> : vector<8xf32>
    %reduce_sum3A_106 = vector.multi_reduction <add>, %convert_element_type3A_48, %reduce_sum3A_105 [0] : vector<2048x8xf32> to vector<8xf32>
    %broadcast_in_dim3A_107 = vector.shape_cast %reduce_sum3A_106 : vector<8xf32> to vector<1x8xf32>
    %broadcast_in_dim3A_108 = arith.constant 0.000000e+00 : f32
    %broadcast_in_dim3A_109 = vector.broadcast %broadcast_in_dim3A_108 : f32 to vector<1x8xf32>
    %slice3A_110 = vector.extract_strided_slice %convert_element_type3A_50 {offsets = [0, 0], sizes = [2047, 8], strides = [1, 1]} : vector<2048x8xf32> to vector<2047x8xf32>
    %concatenate3A_111 = tpu.concatenate %broadcast_in_dim3A_109, %slice3A_110 in 0 : vector<1x8xf32>, vector<2047x8xf32> -> vector<2048x8xf32>
    %add3A_112 = arith.addf %convert_element_type3A_50, %concatenate3A_111 : vector<2048x8xf32>
    %broadcast_in_dim3A_113 = arith.constant 0.000000e+00 : f32
    %broadcast_in_dim3A_114 = vector.broadcast %broadcast_in_dim3A_113 : f32 to vector<2x8xf32>
    %slice3A_115 = vector.extract_strided_slice %add3A_112 {offsets = [0, 0], sizes = [2046, 8], strides = [1, 1]} : vector<2048x8xf32> to vector<2046x8xf32>
    %concatenate3A_116 = tpu.concatenate %broadcast_in_dim3A_114, %slice3A_115 in 0 : vector<2x8xf32>, vector<2046x8xf32> -> vector<2048x8xf32>
    %add3A_117 = arith.addf %add3A_112, %concatenate3A_116 : vector<2048x8xf32>
    %broadcast_in_dim3A_118 = arith.constant 0.000000e+00 : f32
    %broadcast_in_dim3A_119 = vector.broadcast %broadcast_in_dim3A_118 : f32 to vector<4x8xf32>
    %slice3A_120 = vector.extract_strided_slice %add3A_117 {offsets = [0, 0], sizes = [2044, 8], strides = [1, 1]} : vector<2048x8xf32> to vector<2044x8xf32>
    %concatenate3A_121 = tpu.concatenate %broadcast_in_dim3A_119, %slice3A_120 in 0 : vector<4x8xf32>, vector<2044x8xf32> -> vector<2048x8xf32>
    %add3A_122 = arith.addf %add3A_117, %concatenate3A_121 : vector<2048x8xf32>
    %broadcast_in_dim3A_123 = arith.constant 0.000000e+00 : f32
    %broadcast_in_dim3A_124 = vector.broadcast %broadcast_in_dim3A_123 : f32 to vector<8x8xf32>
    %slice3A_125 = vector.extract_strided_slice %add3A_122 {offsets = [0, 0], sizes = [2040, 8], strides = [1, 1]} : vector<2048x8xf32> to vector<2040x8xf32>
    %concatenate3A_126 = tpu.concatenate %broadcast_in_dim3A_124, %slice3A_125 in 0 : vector<8x8xf32>, vector<2040x8xf32> -> vector<2048x8xf32>
    %add3A_127 = arith.addf %add3A_122, %concatenate3A_126 : vector<2048x8xf32>
    %broadcast_in_dim3A_128 = arith.constant 0.000000e+00 : f32
    %broadcast_in_dim3A_129 = vector.broadcast %broadcast_in_dim3A_128 : f32 to vector<16x8xf32>
    %slice3A_130 = vector.extract_strided_slice %add3A_127 {offsets = [0, 0], sizes = [2032, 8], strides = [1, 1]} : vector<2048x8xf32> to vector<2032x8xf32>
    %concatenate3A_131 = tpu.concatenate %broadcast_in_dim3A_129, %slice3A_130 in 0 : vector<16x8xf32>, vector<2032x8xf32> -> vector<2048x8xf32>
    %add3A_132 = arith.addf %add3A_127, %concatenate3A_131 : vector<2048x8xf32>
    %broadcast_in_dim3A_133 = arith.constant 0.000000e+00 : f32
    %broadcast_in_dim3A_134 = vector.broadcast %broadcast_in_dim3A_133 : f32 to vector<32x8xf32>
    %slice3A_135 = vector.extract_strided_slice %add3A_132 {offsets = [0, 0], sizes = [2016, 8], strides = [1, 1]} : vector<2048x8xf32> to vector<2016x8xf32>
    %concatenate3A_136 = tpu.concatenate %broadcast_in_dim3A_134, %slice3A_135 in 0 : vector<32x8xf32>, vector<2016x8xf32> -> vector<2048x8xf32>
    %add3A_137 = arith.addf %add3A_132, %concatenate3A_136 : vector<2048x8xf32>
    %broadcast_in_dim3A_138 = arith.constant 0.000000e+00 : f32
    %broadcast_in_dim3A_139 = vector.broadcast %broadcast_in_dim3A_138 : f32 to vector<64x8xf32>
    %slice3A_140 = vector.extract_strided_slice %add3A_137 {offsets = [0, 0], sizes = [1984, 8], strides = [1, 1]} : vector<2048x8xf32> to vector<1984x8xf32>
    %concatenate3A_141 = tpu.concatenate %broadcast_in_dim3A_139, %slice3A_140 in 0 : vector<64x8xf32>, vector<1984x8xf32> -> vector<2048x8xf32>
    %add3A_142 = arith.addf %add3A_137, %concatenate3A_141 : vector<2048x8xf32>
    %broadcast_in_dim3A_143 = arith.constant 0.000000e+00 : f32
    %broadcast_in_dim3A_144 = vector.broadcast %broadcast_in_dim3A_143 : f32 to vector<128x8xf32>
    %slice3A_145 = vector.extract_strided_slice %add3A_142 {offsets = [0, 0], sizes = [1920, 8], strides = [1, 1]} : vector<2048x8xf32> to vector<1920x8xf32>
    %concatenate3A_146 = tpu.concatenate %broadcast_in_dim3A_144, %slice3A_145 in 0 : vector<128x8xf32>, vector<1920x8xf32> -> vector<2048x8xf32>
    %add3A_147 = arith.addf %add3A_142, %concatenate3A_146 : vector<2048x8xf32>
    %broadcast_in_dim3A_148 = arith.constant 0.000000e+00 : f32
    %broadcast_in_dim3A_149 = vector.broadcast %broadcast_in_dim3A_148 : f32 to vector<256x8xf32>
    %slice3A_150 = vector.extract_strided_slice %add3A_147 {offsets = [0, 0], sizes = [1792, 8], strides = [1, 1]} : vector<2048x8xf32> to vector<1792x8xf32>
    %concatenate3A_151 = tpu.concatenate %broadcast_in_dim3A_149, %slice3A_150 in 0 : vector<256x8xf32>, vector<1792x8xf32> -> vector<2048x8xf32>
    %add3A_152 = arith.addf %add3A_147, %concatenate3A_151 : vector<2048x8xf32>
    %broadcast_in_dim3A_153 = arith.constant 0.000000e+00 : f32
    %broadcast_in_dim3A_154 = vector.broadcast %broadcast_in_dim3A_153 : f32 to vector<512x8xf32>
    %slice3A_155 = vector.extract_strided_slice %add3A_152 {offsets = [0, 0], sizes = [1536, 8], strides = [1, 1]} : vector<2048x8xf32> to vector<1536x8xf32>
    %concatenate3A_156 = tpu.concatenate %broadcast_in_dim3A_154, %slice3A_155 in 0 : vector<512x8xf32>, vector<1536x8xf32> -> vector<2048x8xf32>
    %add3A_157 = arith.addf %add3A_152, %concatenate3A_156 : vector<2048x8xf32>
    %broadcast_in_dim3A_158 = arith.constant 0.000000e+00 : f32
    %broadcast_in_dim3A_159 = vector.broadcast %broadcast_in_dim3A_158 : f32 to vector<1024x8xf32>
    %slice3A_160 = vector.extract_strided_slice %add3A_157 {offsets = [0, 0], sizes = [1024, 8], strides = [1, 1]} : vector<2048x8xf32> to vector<1024x8xf32>
    %concatenate3A_161 = tpu.concatenate %broadcast_in_dim3A_159, %slice3A_160 in 0 : vector<1024x8xf32>, vector<1024x8xf32> -> vector<2048x8xf32>
    %add3A_162 = arith.addf %add3A_157, %concatenate3A_161 : vector<2048x8xf32>
    %sub3A_163 = arith.subf %add3A_162, %convert_element_type3A_50 : vector<2048x8xf32>
    %add3A_164 = vector.broadcast %broadcast_in_dim3A_107 : vector<1x8xf32> to vector<2048x8xf32>
    %add3A_165 = arith.addf %sub3A_163, %add3A_164 : vector<2048x8xf32>
    %reduce_sum3A_166 = arith.constant dense<0.000000e+00> : vector<8xf32>
    %reduce_sum3A_167 = vector.multi_reduction <add>, %convert_element_type3A_50, %reduce_sum3A_166 [0] : vector<2048x8xf32> to vector<8xf32>
    %broadcast_in_dim3A_168 = vector.shape_cast %reduce_sum3A_167 : vector<8xf32> to vector<1x8xf32>
    %add3A_169 = arith.addf %broadcast_in_dim3A_107, %broadcast_in_dim3A_168 : vector<1x8xf32>
    %convert_element_type3A_170 = arith.fptosi %add3A_169 : vector<1x8xf32> to vector<1x8xi32>
    %add3A_171 = arith.constant 511 : i32
    %add3A_172 = vector.broadcast %add3A_171 : i32 to vector<1x8xi32>
    %add3A_173 = arith.addi %convert_element_type3A_170, %add3A_172 : vector<1x8xi32>
    %shift_right_arithmetic3A = arith.constant 9 : i32
    %shift_right_arithmetic3A_174 = vector.broadcast %shift_right_arithmetic3A : i32 to vector<1x8xi32>
    %shift_right_arithmetic3A_175 = arith.shrsi %add3A_173, %shift_right_arithmetic3A_174 : vector<1x8xi32>
    %shift_left3A = arith.constant 9 : i32
    %shift_left3A_176 = vector.broadcast %shift_left3A : i32 to vector<1x8xi32>
    %shift_left3A_177 = arith.shli %shift_right_arithmetic3A_175, %shift_left3A_176 : vector<1x8xi32>
    %iota3A_178 = tpu.iota {dimensions = array<i32: 0>} : vector<8x8xi32>
    %iota3A_179 = tpu.iota {dimensions = array<i32: 1>} : vector<8x8xi32>
    %eq3A_180 = arith.cmpi eq, %iota3A_178, %iota3A_179 : vector<8x8xi32>
    %jit3A_181 = arith.constant 0 : i32
    %broadcast_in_dim3A_182 = vector.shape_cast %shift_left3A_177 : vector<1x8xi32> to vector<1x8xi32>
    %broadcast_in_dim3A_183 = vector.broadcast %broadcast_in_dim3A_182 : vector<1x8xi32> to vector<8x8xi32>
    %broadcast_in_dim3A_184 = vector.broadcast %jit3A_181 : i32 to vector<8x8xi32>
    %select_n3A_185 = arith.select %eq3A_180, %broadcast_in_dim3A_183, %broadcast_in_dim3A_184 : vector<8x8xi1>, vector<8x8xi32>
    %reduce_sum3A_186 = arith.constant dense<0> : vector<8xi32>
    %reduce_sum3A_187 = vector.multi_reduction <add>, %select_n3A_185, %reduce_sum3A_186 [1] : vector<8x8xi32> to vector<8xi32>
    %broadcast_in_dim3A_188 = vector.shape_cast %reduce_sum3A_187 : vector<8xi32> to vector<8x1xi32>
    %lt3A = arith.cmpi slt, %iota3A_178, %iota3A_179 : vector<8x8xi32>
    %jit3A_189 = arith.constant 0 : i32
    %broadcast_in_dim3A_190 = vector.shape_cast %broadcast_in_dim3A_188 : vector<8x1xi32> to vector<8x1xi32>
    %broadcast_in_dim3A_191 = vector.broadcast %broadcast_in_dim3A_190 : vector<8x1xi32> to vector<8x8xi32>
    %broadcast_in_dim3A_192 = vector.broadcast %jit3A_189 : i32 to vector<8x8xi32>
    %select_n3A_193 = arith.select %lt3A, %broadcast_in_dim3A_191, %broadcast_in_dim3A_192 : vector<8x8xi1>, vector<8x8xi32>
    %reduce_sum3A_194 = arith.constant dense<0> : vector<8xi32>
    %reduce_sum3A_195 = vector.multi_reduction <add>, %select_n3A_193, %reduce_sum3A_194 [0] : vector<8x8xi32> to vector<8xi32>
    %broadcast_in_dim3A_196 = vector.shape_cast %reduce_sum3A_195 : vector<8xi32> to vector<1x8xi32>
    %add3A_197 = arith.addi %broadcast_in_dim3A_196, %convert_element_type3A_170 : vector<1x8xi32>
    %squeeze3A = vector.shape_cast %add3A_197 : vector<1x8xi32> to vector<8xi32>
    %swap3A_198 = arith.constant 0 : index
    %swap3A_199 = vector.load %arg9[%swap3A_198] : memref<8xi32, #tpu.memory_space<vmem>>, vector<8xi32>
    tpu.vector_store %arg9[%swap3A_198], %squeeze3A {strides = array<i32>} : memref<8xi32, #tpu.memory_space<vmem>>, vector<8xi32>,
    %convert_element_type3A_200 = arith.sitofp %broadcast_in_dim3A_196 : vector<1x8xi32> to vector<1x8xf32>
    %add3A_201 = vector.broadcast %convert_element_type3A_200 : vector<1x8xf32> to vector<2048x8xf32>
    %add3A_202 = arith.addf %add3A_201, %sub3A_104 : vector<2048x8xf32>
    %jit3A_203 = arith.constant 0.000000e+00 : f32
    %broadcast_in_dim3A_204 = vector.broadcast %jit3A_203 : f32 to vector<2048x8xf32>
    %select_n3A_205 = arith.select %eq3A_23, %add3A_202, %broadcast_in_dim3A_204 : vector<2048x8xi1>, vector<2048x8xf32>
    %reduce_sum3A_206 = arith.constant dense<0.000000e+00> : vector<2048xf32>
    %reduce_sum3A_207 = vector.multi_reduction <add>, %select_n3A_205, %reduce_sum3A_206 [1] : vector<2048x8xf32> to vector<2048xf32>
    %broadcast_in_dim3A_208 = vector.shape_cast %reduce_sum3A_207 : vector<2048xf32> to vector<2048x1xf32>
    %add3A_209 = vector.broadcast %convert_element_type3A_200 : vector<1x8xf32> to vector<2048x8xf32>
    %add3A_210 = arith.addf %add3A_209, %add3A_165 : vector<2048x8xf32>
    %jit3A_211 = arith.constant 0.000000e+00 : f32
    %broadcast_in_dim3A_212 = vector.broadcast %jit3A_211 : f32 to vector<2048x8xf32>
    %select_n3A_213 = arith.select %eq3A_39, %add3A_210, %broadcast_in_dim3A_212 : vector<2048x8xi1>, vector<2048x8xf32>
    %reduce_sum3A_214 = arith.constant dense<0.000000e+00> : vector<2048xf32>
    %reduce_sum3A_215 = vector.multi_reduction <add>, %select_n3A_213, %reduce_sum3A_214 [1] : vector<2048x8xf32> to vector<2048xf32>
    %broadcast_in_dim3A_216 = vector.shape_cast %reduce_sum3A_215 : vector<2048xf32> to vector<2048x1xf32>
    %convert_element_type3A_217 = arith.fptosi %broadcast_in_dim3A_208 : vector<2048x1xf32> to vector<2048x1xi32>
    %squeeze3A_218 = vector.shape_cast %convert_element_type3A_217 : vector<2048x1xi32> to vector<2048xi32>
    %swap3A_219 = arith.constant 0 : index
    %swap3A_220 = vector.load %arg6[%swap3A_219] : memref<2048xi32, #tpu.memory_space<vmem>>, vector<2048xi32>
    tpu.vector_store %arg6[%swap3A_219], %squeeze3A_218 {strides = array<i32>} : memref<2048xi32, #tpu.memory_space<vmem>>, vector<2048xi32>,
    %convert_element_type3A_221 = arith.fptosi %broadcast_in_dim3A_216 : vector<2048x1xf32> to vector<2048x1xi32>
    %squeeze3A_222 = vector.shape_cast %convert_element_type3A_221 : vector<2048x1xi32> to vector<2048xi32>
    %swap3A_223 = arith.constant 0 : index
    %swap3A_224 = vector.load %arg7[%swap3A_223] : memref<2048xi32, #tpu.memory_space<vmem>>, vector<2048xi32>
    tpu.vector_store %arg7[%swap3A_223], %squeeze3A_222 {strides = array<i32>} : memref<2048xi32, #tpu.memory_space<vmem>>, vector<2048xi32>,
    %iota3A_225 = tpu.iota {dimensions = array<i32: 0>} : vector<16x8xi32>
    %mul3A = arith.constant 512 : i32
    %mul3A_226 = vector.broadcast %mul3A : i32 to vector<16x8xi32>
    %mul3A_227 = arith.muli %iota3A_225, %mul3A_226 : vector<16x8xi32>
    %broadcast_in_dim3A_228 = vector.shape_cast %broadcast_in_dim3A_196 : vector<1x8xi32> to vector<1x8xi32>
    %broadcast_in_dim3A_229 = vector.broadcast %broadcast_in_dim3A_228 : vector<1x8xi32> to vector<16x8xi32>
    %ge3A = arith.cmpi sge, %mul3A_227, %broadcast_in_dim3A_229 : vector<16x8xi32>
    %convert_element_type3A_230 = arith.extui %ge3A : vector<16x8xi1> to vector<16x8xi32>
    %reduce_sum3A_231 = arith.constant dense<0> : vector<16xi32>
    %reduce_sum3A_232 = vector.multi_reduction <add>, %convert_element_type3A_230, %reduce_sum3A_231 [1] : vector<16x8xi32> to vector<16xi32>
    %broadcast_in_dim3A_233 = vector.shape_cast %reduce_sum3A_232 : vector<16xi32> to vector<16x1xi32>
    %sub3A_234 = arith.constant 1 : i32
    %sub3A_235 = vector.broadcast %sub3A_234 : i32 to vector<16x1xi32>
    %sub3A_236 = arith.subi %broadcast_in_dim3A_233, %sub3A_235 : vector<16x1xi32>
    %min3A = arith.constant 7 : i32
    %min3A_237 = vector.broadcast %min3A : i32 to vector<16x1xi32>
    %min3A_238 = arith.minsi %sub3A_236, %min3A_237 : vector<16x1xi32>
    %squeeze3A_239 = vector.shape_cast %min3A_238 : vector<16x1xi32> to vector<16xi32>
    %swap3A_240 = arith.constant 0 : index
    %swap3A_241 = vector.load %arg8[%swap3A_240] : memref<16xi32, #tpu.memory_space<vmem>>, vector<16xi32>
    tpu.vector_store %arg8[%swap3A_240], %squeeze3A_239 {strides = array<i32>} : memref<16xi32, #tpu.memory_space<vmem>>, vector<16xi32>,
    return
  }
  func.func @transform_0(%arg0: i32) -> (i32, i32) {
    %c0_i32 = arith.constant 0 : i32
    %c0_i32_0 = arith.constant 0 : i32
    %c0_i32_1 = arith.constant 0 : i32
    return %c0_i32, %c0_i32_0 : i32, i32
  }
  func.func @transform_1(%arg0: i32) -> (i32, i32) {
    %c0_i32 = arith.constant 0 : i32
    %c0_i32_0 = arith.constant 0 : i32
    %c0_i32_1 = arith.constant 0 : i32
    return %c0_i32, %c0_i32_0 : i32, i32
  }
  func.func @transform_2(%arg0: i32) -> i32 {
    %c0_i32 = arith.constant 0 : i32
    %c0_i32_0 = arith.constant 0 : i32
    return %c0_i32 : i32
  }
  func.func @transform_3(%arg0: i32) -> (i32, i32) {
    %c0_i32 = arith.constant 0 : i32
    %c0_i32_0 = arith.constant 0 : i32
    %c0_i32_1 = arith.constant 0 : i32
    return %c0_i32, %c0_i32_0 : i32, i32
  }
  func.func @transform_4(%arg0: i32) -> (i32, i32) {
    %c0_i32 = arith.constant 0 : i32
    %c0_i32_0 = arith.constant 0 : i32
    %c0_i32_1 = arith.constant 0 : i32
    return %c0_i32, %c0_i32_0 : i32, i32
  }
  func.func @transform_5(%arg0: i32) -> i32 {
    %c0_i32 = arith.constant 0 : i32
    %c0_i32_0 = arith.constant 0 : i32
    return %c0_i32 : i32
  }
  func.func @transform_6(%arg0: i32) -> i32 {
    %c0_i32 = arith.constant 0 : i32
    %c0_i32_0 = arith.constant 0 : i32
    return %c0_i32 : i32
  }
  func.func @transform_7(%arg0: i32) -> i32 {
    %c0_i32 = arith.constant 0 : i32
    %c0_i32_0 = arith.constant 0 : i32
    return %c0_i32 : i32
  }
  func.func @transform_8(%arg0: i32) -> i32 {
    %c0_i32 = arith.constant 0 : i32
    %c0_i32_0 = arith.constant 0 : i32
    return %c0_i32 : i32
  }
}

</mosaic_0001>

<sc_bundles>
// kernel: kernel.10.cloned.1.call-start
scs
__scs_entry_jumppad:
0x0: {  	(pc) =	sbr.rel $0x88, $3  }
0x1: {  	(tag) =	ssettag $0x0;
	lr =	simm.s32 $0x1  }
0x2: {  	[smem:$0x3F9A] =	sst lr;
	_ =	strace $0xD0000000  }
0x3: {  	_ = 	snop  }
0x4: {  	_ = 	snop  }
0x5: {  	_ = 	snop  }
0x6: {  	_ = 	snop  }
0x7: {  	_ = 	snop  }
__scs_overlays_trampoline_lowered:
0x8: {  	[smem:$0x3FA9] =	sst s0  }
0x9: {  	[smem:$0x3FAA] =	sst s1  }
0xa: {  	[smem:$0x3FAB] =	sst s2  }
0xb: {  	[smem:$0x3FAC] =	sst s3  }
0xc: {  	[smem:$0x3FAD] =	sst s4  }
0xd: {  	[smem:$0x3FAE] =	sst s5  }
0xe: {  	[smem:$0x3FAF] =	sst s6  }
0xf: {  	[smem:$0x3FB0] =	sst s7  }
0x10: {  	[smem:$0x3FB1] =	sst s8  }
0x11: {  	[smem:$0x3FB2] =	sst s9;
	s0 =	simm.s32 @!p0 $0x0  }
0x12: {  	s1 =	sld [smem:$0x3F98];
	s0 =	simm.s32 @p0 $0x1  }
0x13: {  	[smem:$0x3FB3] =	sst s0;
	s0 =	simm.s32 @!p1 $0x0  }
0x14: {  	s2 =	sld [smem:$0x3F97];
	s0 =	simm.s32 @p1 $0x1  }
0x15: {  	[smem:$0x3FB4] =	sst s0;
	s0 =	simm.s32 @!p2 $0x0  }
0x16: {  	s3 =	sld [smem:$0x3FDB];
	s0 =	simm.s32 @p2 $0x1  }
0x17: {  	s4 =	simm.s32 $0x1BF5;
	[smem:$0x3FB6] =	sst s0  }
0x18: {  	s0 =	sld [smem:$0x3F99];
	_ =	swait.ge [sflag:s4], $0x0  }
0x19: {  	s7 =	sld [smem:$0x3F9A]  }
0x1a: {  	s8 =	sadd.s32 $0xFFFFE003, lr  }
0x1b: {  	s9 =	sadd.s32 $0xFFFFFEF7, lr;
	s5 =	simm.s32 $0xFFFFFFFF;
	p2 =	slt.u32 s8, $0xFFFFF086  }
0x1c: {  	p1 =	slt.u32 s9, $0xF7A;
	s5 =	simm.s32 @!p2 $0x0  }
0x1d: {  	s5 =	simm.s32 @p1 $0x1;
	p0 =	seq.s32 s7, s2  }
0x1e: {  	s7 =	smul.u32 @!p0 $0xF7A, s2;
	p2 =	seq.s32 @!p0 s5, $0x0  }
0x1f: {  	s9 =	smul.u32 $0xF7A, s1;
	s8 =	simm.s32 @!p0 $0x1BF5;
	p2 =	por !p2, p0  }
0x20: {  	[sflag:s8] =	ssyncset.s32 @!p0 $0xFFFFF086;
	s6 =	sadd.s32 @!p0 s3, s7;
	s7 =	simm.s32 @!p0 $0x108  }
0x21: {  	s3 =	sadd.s32 s3, s9;
	s6 =	sadd.s32 @!p0 $0x88, s6;
	s7 =	simm.s32 @p2 $0x1082  }
0x22: {  	[simem:s7], [sflag:s8] =	dma.local @!p0 [hbm:s6], $0xF7A  }
0x23: {  	s9 =	sor.u32 $0xD0000000, s2;
	s6 =	simm.s32 $0x108;
	_ =	swait.ge @!p0 [sflag:s8], $0x0  }
0x24: {  	s3 =	sadd.s32 $0x88, s3;
	s6 =	simm.s32 @!p1 $0x1082;
	[sflag:s4] =	ssyncset.s32 $0xFFFFF086  }
0x25: {  	[simem:s6], [sflag:s4] =	dma.local [hbm:s3], $0xF7A  }
0x26: {  	[smem:$0x3F9A] =	sst s1;
	(tag) =	ssettag s2;
	_ =	strace s9  }
0x27: {  	s1 =	sld [smem:$0x3FAA]  }
0x28: {  	s2 =	sld [smem:$0x3FAB]  }
0x29: {  	s4 =	sld [smem:$0x3FAD]  }
0x2a: {  	p0 =	seq.s32 s5, $0x0;
	s5 =	sld [smem:$0x3FAE]  }
0x2b: {  	s6 =	sld [smem:$0x3FAF]  }
0x2c: {  	s7 =	sld [smem:$0x3FB0]  }
0x2d: {  	s3 =	simm.s32 $0x108;
	s8 =	sld [smem:$0x3FB1]  }
0x2e: {  	s3 =	simm.s32 @!p0 $0x1082;
	s9 =	sld [smem:$0x3FB2]  }
0x2f: {  	lr =	sadd.s32 s0, s3;
	s0 =	sld [smem:$0x3FA9]  }
0x30: {  	s3 =	sld [smem:$0x3FAC]  }
0x31: {  	[smem:$0x3FB5] =	sst s10  }
0x32: {  	s10 =	sld [smem:$0x3FB3];
	_ =	sdelay $0x3  }
0x33: {  	p0 =	seq.s32 s10, $0x1;
	s10 =	sld [smem:$0x3FB5];
	_ =	sdelay $0x3  }
0x34: {  	[smem:$0x3FB5] =	sst s10  }
0x35: {  	s10 =	sld [smem:$0x3FB4];
	_ =	sdelay $0x3  }
0x36: {  	p1 =	seq.s32 s10, $0x1;
	s10 =	sld [smem:$0x3FB5];
	_ =	sdelay $0x3  }
0x37: {  	[smem:$0x3FB5] =	sst s10  }
0x38: {  	s10 =	sld [smem:$0x3FB6]  }
0x39: {  	_ = 	snop;
	(pc) =	sbr.ind lr, $3  }
0x3a: {  	_ = 	snop  }
0x3b: {  	_ = 	snop  }
0x3c: {  	p2 =	seq.s32 s10, $0x1;
	s10 =	sld [smem:$0x3FB5]  }
0x3d: {  	_ =	shalt  }
0x3e: {  	_ =	shalt  }
0x3f: {  	_ =	shalt  }
0x40: {  	_ =	shalt  }
0x41: {  	_ =	shalt  }
0x42: {  	_ =	shalt  }
0x43: {  	_ =	shalt  }
0x44: {  	_ =	shalt  }
0x45: {  	_ =	shalt  }
0x46: {  	_ =	shalt  }
0x47: {  	_ =	shalt  }
0x48: {  	_ =	shalt  }
0x49: {  	_ =	shalt  }
0x4a: {  	_ =	shalt  }
0x4b: {  	_ =	shalt  }
0x4c: {  	_ =	shalt  }
0x4d: {  	_ =	shalt  }
0x4e: {  	_ =	shalt  }
0x4f: {  	_ =	shalt  }
0x50: {  	_ =	shalt  }
0x51: {  	_ =	shalt  }
0x52: {  	_ =	shalt  }
0x53: {  	_ =	shalt  }
0x54: {  	_ =	shalt  }
0x55: {  	_ =	shalt  }
0x56: {  	_ =	shalt  }
0x57: {  	_ =	shalt  }
0x58: {  	_ =	shalt  }
0x59: {  	_ =	shalt  }
0x5a: {  	_ =	shalt  }
0x5b: {  	_ =	shalt  }
0x5c: {  	_ =	shalt  }
0x5d: {  	_ =	shalt  }
0x5e: {  	_ =	shalt  }
0x5f: {  	_ =	shalt  }
0x60: {  	_ =	shalt  }
0x61: {  	_ =	shalt  }
0x62: {  	_ =	shalt  }
0x63: {  	_ =	shalt  }
0x64: {  	_ =	shalt  }
0x65: {  	_ =	shalt  }
0x66: {  	_ =	shalt  }
0x67: {  	_ =	shalt  }
0x68: {  	_ =	shalt  }
0x69: {  	_ =	shalt  }
0x6a: {  	_ =	shalt  }
0x6b: {  	_ =	shalt  }
0x6c: {  	_ =	shalt  }
0x6d: {  	_ =	shalt  }
0x6e: {  	_ =	shalt  }
0x6f: {  	_ =	shalt  }
0x70: {  	_ =	shalt  }
0x71: {  	_ =	shalt  }
0x72: {  	_ =	shalt  }
0x73: {  	_ =	shalt  }
0x74: {  	_ =	shalt  }
0x75: {  	_ =	shalt  }
0x76: {  	_ =	shalt  }
0x77: {  	_ =	shalt  }
0x78: {  	_ =	shalt  }
0x79: {  	_ =	shalt  }
0x7a: {  	_ =	shalt  }
0x7b: {  	_ =	shalt  }
0x7c: {  	_ =	shalt  }
0x7d: {  	_ =	shalt  }
0x7e: {  	_ =	shalt  }
0x7f: {  	_ =	shalt  }
0x80: {  	_ =	shalt  }
0x81: {  	_ =	shalt  }
0x82: {  	_ =	shalt  }
0x83: {  	_ =	shalt  }
0x84: {  	_ =	shalt  }
0x85: {  	_ =	shalt  }
0x86: {  	_ =	shalt  }
0x87: {  	_ =	shalt  }
.Lfunc_end0:
.L_simem_size_0:
called_computation.1_lowered:
.L_overlay_start_0:
0x88: {  	s2 =	sld [smem:$0x3FD9]  }
0x89: {  	s3 =	sld [smem:$0x3FFE];
	_ =	sdelay $0x1  }
0x8a: {  	s1 =	srdreg.scid  }
0x8b: {  	s0 =	sand.u32 $0x1, s1  }
0x8c: {  	s17 =	sshll.u32 s0, $0xA;
	s2 =	sadd.s32 s3, s2  }
0x8d: {  	s2 =	sadd.s32 s2, s17  }
0x8e: {  	[smem:$0x3FC1] =	sst s2  }
0x8f: {  	_ = 	snop  }
0x90: {  	s2 =	sld [smem:$0x3FD0];
	(tm) =	ssettm $0x1  }
0x91: {  	s18 =	sld [smem:$0x3FFB];
	_ =	sdelay $0x3  }
0x92: {  	_ =	strace s18  }
0x93: {  	s3 =	sld [smem:$0x3FFC];
	_ =	sdelay $0x3  }
0x94: {  	_ =	strace s3  }
0x95: {  	s3 =	sld [smem:$0x3FFD];
	_ =	sdelay $0x3  }
0x96: {  	_ =	strace s3  }
0x97: {  	_ =	strace $0x8FFFFFFF  }
0x98: {  	s19 =	sld [smem:$0x3FDB];
	_ =	sdelay $0x1  }
0x99: {  	s4 =	simm.s32 $_scs_section_size  }
0x9a: {  	s5 =	simm.s32 $_size__tile_overlayer_lowered;
	s6 =	simm.s32 $_tile_overlayer_lowered  }
0x9b: {  	s22 =	simm.s32 $0x1BFF;
	s21 =	sshll.u32 s6, $0x1;
	s3 =	sadd.s32 s4, s19  }
0x9c: {  	s7 =	simm.s32 $0x0;
	s20 =	sshll.u32 s5, $0x1;
	s5 =	sadd.s32 s21, s3  }
0x9d: {  	[timem:s7], [sflag:s22] =	dma.local [hbm:s5], s20  }
0x9e: {  	_ =	swait.ge [sflag:s22], s20  }
0x9f: {  	s4 =	ssub.s32 $0x0, s20;
	[sflag:s22] =	ssyncset.done $0x0  }
0xa0: {  	[sflag:s22] =	ssyncadd.s32 s4;
	_ =	sdelay $0x1  }
0xa1: {  	s23 =	simm.s32 $0x1B8B  }
0xa2: {  	_ =	swait.ge [sflag:s23], $0x1  }
0xa3: {  	[sflag:s23] =	ssyncset.done $0x0  }
0xa4: {  	s25 =	simm.s32 $0x1B8E;
	s24 =	sld [smem:$0x3FFE];
	[sflag:s23] =	ssyncadd.s32 $0xFFFFFFFF  }
0xa5: {  	s26 =	simm.s32 $execute0_lowered;
	[smem:$0x3FD2] =	sst s25  }
0xa6: {  	s5 =	sshll.u32 s26, $0x1;
	_ =	strace $0x80000049;
	[dreg:$0x1] =	wrdreg $0xFFFFFFFF  }
0xa7: {  	s28 =	simm.s32 $_size_execute0_lowered;
	s3 =	sadd.s32 s3, s5;
	[dreg:$0x0] =	wrdreg $0x0  }
0xa8: {  	s5 =	sshll.u32 s28, $0x1;
	[dreg:$0x2] =	wrdreg s3  }
0xa9: {  	[dreg:$0x3] =	wrdreg s5  }
0xaa: {  	[dreg:$0x4] =	wrdreg $0xC0  }
0xab: {  	_ =	task [dreg:s7], $0x5FFFF  }
0xac: {  	[dreg:$0x1] =	wrdreg $0xFFFFFFFF  }
0xad: {  	[dreg:$0x0] =	wrdreg $0x60  }
0xae: {  	[dreg:$0x2] =	wrdreg s24  }
0xaf: {  	[dreg:$0x3] =	wrdreg s2  }
0xb0: {  	[dreg:$0x4] =	wrdreg $0x9  }
0xb1: {  	_ =	task.clear_ibuf [dreg:s7], $0x5FFFF;
	_ =	strace $0x90000049  }
0xb2: {  	s29 =	simm.s32 $0x9;
	_ =	strace $0x8000004B  }
0xb3: {  	_ =	swait.ge [sflag:s29], $0x1  }
0xb4: {  	[sflag:s29] =	ssyncadd.s32 $0xFFFFFFFF  }
0xb5: {  	_ =	strace $0x9000004B  }
0xb6: {  	_ =	sfence  }
0xb7: {  	s30 =	sld [smem:$0x0];
	_ =	sdelay $0x2  }
0xb8: {  	s31 =	sshll.u32 s1, $0xD;
	s1 =	sshrl.u32 s1, $0x2  }
0xb9: {  	s3 =	sand.u32 $0x4000, s31;
	s1 =	sadd.s32 s1, s30  }
0xba: {  	s0 =	sor.u32 s3, s0;
	s1 =	sshll.u32 s1, $0x11  }
0xbb: {  	s0 =	sor.u32 s1, s0  }
0xbc: {  	s0 =	sadd.s32 $0x8F2B, s0  }
0xbd: {  	[sflag:s0] =	ssyncadd.remote.s32 $0x1  }
0xbe: {  	_ =	sfence.sel $0xFFFF  }
0xbf: {  	[dreg:$0x0] =	wrdreg $0xFFFFFFFF;
	(pc) =	sbr.abs _section_cstart, $3  }
0xc0: {  	[dreg:$0x1] =	wrdreg $0xFFFFFFFF  }
0xc1: {  	_ =	task.clear_ibuf [dreg:s7], $0x2FFFF;
	_ =	strace $0x9FFFFFFF  }
0xc2: {  	(tm) =	ssettm $0x7FFFFFFF  }
0xc3: {  	_ =	shalt  }
tec
execute0_lowered:
.L_overlay_start_1:
0x0: {  	(tag) =	ssettag $0x1  }
0x1: {  	s2 =	srdreg.scid;
	s1 =	rddreg [dreg:$0x0]  }
0x2: {  	s3 =	rddreg [dreg:$0x1];
	s4 =	sand.u32 $0x1, s2;
	s2 =	simm.s32 $0x0  }
0x3: {  	s22 =	simm.s32 $0x80;
	[smem:$0x7FF] =	sst s2  }
0x4: {  	s23 =	simm.s32 $0x900;
	_ =	strace $0x8000004A;
	[dreg:$0x7] =	wrdreg s22  }
0x5: {  	s24 =	simm.s32 $0x1100;
	[dreg:$0x8] =	wrdreg s23  }
0x6: {  	s25 =	simm.s32 $0x1900;
	[dreg:$0x9] =	wrdreg s24  }
0x7: {  	s0 =	stileid.u32;
	s26 =	simm.s32 $0x2100;
	[dreg:$0xa] =	wrdreg s25  }
0x8: {  	s5 =	sshll.u32 s0, $0x4;
	s0 =	simm.s32 $0x2900;
	[dreg:$0xb] =	wrdreg s26  }
0x9: {  	s8 =	simm.s32 $0x4900;
	[dreg:$0xc] =	wrdreg s0  }
0xa: {  	s9 =	simm.s32 $0x5100;
	[dreg:$0x10] =	wrdreg s8  }
0xb: {  	s10 =	simm.s32 $0x5900;
	[dreg:$0x11] =	wrdreg s9  }
0xc: {  	s11 =	simm.s32 $0x6100;
	s12 =	simm.s32 $0x6900;
	[dreg:$0x12] =	wrdreg s10  }
0xd: {  	s13 =	simm.s32 $0x7100;
	s14 =	simm.s32 $0x7900;
	[dreg:$0x13] =	wrdreg s11  }
0xe: {  	s15 =	simm.s32 $0x8100;
	s16 =	simm.s32 $0x8900;
	[dreg:$0x14] =	wrdreg s12  }
0xf: {  	s17 =	simm.s32 $0x9100;
	s18 =	simm.s32 $0x9900;
	[dreg:$0x15] =	wrdreg s13  }
0x10: {  	s28 =	simm.s32 $0x16900;
	s29 =	simm.s32 $0x17100;
	[dreg:$0x16] =	wrdreg s14  }
0x11: {  	s30 =	simm.s32 $0x17900;
	s31 =	simm.s32 $0x1;
	[dreg:$0x17] =	wrdreg s15  }
0x12: {  	s6 =	sshll.u32 s4, $0x3;
	s4 =	ssub.s32 $0x2, s4;
	[dreg:$0x18] =	wrdreg s16  }
0x13: {  	s5 =	sor.u32 s6, s5;
	[dreg:$0x19] =	wrdreg s17;
	s19 =	sshrl.u32 s4, $0x1  }
0x14: {  	[dreg:$0x1a] =	wrdreg s18;
	s22 =	simm.s32 $0xB100;
	s23 =	simm.s32 $0xB900  }
0x15: {  	s24 =	simm.s32 $0xC900;
	s25 =	simm.s32 $0xD100;
	s8 =	simm.s32 $0x100  }
0x16: {  	s26 =	simm.s32 $0xD900;
	s9 =	simm.s32 $0xC100;
	s11 =	simm.s32 $0xE900  }
0x17: {  	s12 =	simm.s32 $0xF100;
	s13 =	simm.s32 $0xF900;
	[dreg:$0x1d] =	wrdreg s22  }
0x18: {  	s14 =	simm.s32 $0x10100;
	s15 =	simm.s32 $0x10900;
	[dreg:$0x1e] =	wrdreg s23  }
0x19: {  	s16 =	simm.s32 $0x11100;
	s17 =	simm.s32 $0x11900;
	[dreg:$0x1f] =	wrdreg s24  }
0x1a: {  	s18 =	simm.s32 $0x12100;
	s6 =	sadd.s32 s5, s1;
	[smem:$0x7FC] =	sst s25  }
0x1b: {  	s5 =	smul.u32 $0x300, s5;
	[smem:$0x7FD] =	sst s26;
	s7 =	sadd.s32 $0x2600, s6  }
0x1c: {  	s22 =	simm.s32 $0x14100;
	s6 =	sadd.s32 $0x2800, s6;
	[dreg:$0x3] =	wrdreg s7  }
0x1d: {  	s23 =	simm.s32 $0x14900;
	[dreg:$0x4] =	wrdreg s6;
	s3 =	sadd.s32 s3, s5  }
0x1e: {  	s20 =	sadd.s32 s5, s1;
	s5 =	simm.s32 $0x3100;
	[dreg:$0x5] =	wrdreg s3  }
0x1f: {  	s24 =	simm.s32 $0x15100;
	s6 =	simm.s32 $0x3900;
	[dreg:$0xd] =	wrdreg s5  }
0x20: {  	s25 =	simm.s32 $0x15900;
	s7 =	simm.s32 $0x4100;
	[dreg:$0xe] =	wrdreg s6  }
0x21: {  	s26 =	simm.s32 $0x16100;
	s21 =	sadd.s32 $0x2A00, s20;
	[dreg:$0xf] =	wrdreg s7  }
0x22: {  	s3 =	sadd.s32 $0xC2A00, s1;
	s20 =	simm.s32 $0xA100;
	s6 =	ssub.s32 s4, s19  }
0x23: {  	s4 =	sadd.s32 $0xC2B00, s1;
	s5 =	sadd.s32 $0xC2C00, s1;
	s7 =	simm.s32 $0x3  }
0x24: {  	v2 =	vlaneseq.u32;
	s19 =	simm.s32 $0x12900;
	s1 =	simm.s32 $0x2;
	[dreg:$0x6] =	wrdreg s21  }
0x25: {  	vm0 =	vmmov $0xffff;
	v1 =	vshrl.u32 v2, $0x3;
	[dreg:$0x1b] =	wrdreg s20;
	s21 =	simm.s32 $0xA900;
	s6 =	smax.u32 s6, $0x1  }
0x26: {  	v0 =	vand.u32 $0x7, v2;
	v2 =	vor.u32 $0x8, v2;
	v1 =	vmul.u32 $0x8, v1;
	s20 =	simm.s32 $0x13100;
	[dreg:$0x1c] =	wrdreg s21;
	s21 =	simm.s32 $0x13900  }
.LBB2_1:
0x27: {  	s0 =	rddreg [dreg:$0x3]  }
0x28: {  	[tilespmem:s2], [sflag:$0x3] =	stream.linear.gather [hbm4b:s0+s2], $0x40, $0x38;
	[tilespmem:$0x18100] =	vst v63  }
0x29: {  	_ =	swait.ge [sflag:s7], $0x40  }
0x2a: {  	s0 =	rddreg [dreg:$0x4];
	[sflag:s7] =	ssyncset.done $0x0  }
0x2b: {  	s10 =	rddreg [dreg:$0x7];
	[sflag:s7] =	ssyncadd.s32 $0xFFFFFFC0  }
0x2c: {  	[tilespmem:s10], [sflag:$0x3] =	stream.linear.gather [hbm4b:s0+s2], $0x40, $0x38;
	[tilespmem:$0x18100] =	vst v63  }
0x2d: {  	_ =	swait.ge [sflag:s7], $0x40  }
0x2e: {  	[sflag:s7] =	ssyncset.done $0x0  }
0x2f: {  	[sflag:s7] =	ssyncadd.s32 $0xFFFFFFC0  }
0x30: {  	v3 =	vld [tilespmem:$0x0];
	_ =	sdelay $0x4  }
0x31: {  	v4 =	vshrl.u32 v3, $0x3  }
0x32: {  	v4 =	vmul.u32 $0x30, v4  }
0x33: {  	v3 =	vand.u32 $0x7, v3  }
0x34: {  	v3 =	vor.u32 v3, v4  }
0x35: {  	v4 =	vperm.xlane v3, v0;
	_ =	sdelay $0x1  }
0x36: {  	v4 =	vadd.s32 v1, v4;
	_ =	sdelay $0x3  }
0x37: {  	v3 =	vperm.xlane v3, v2  }
0x38: {  	[tilespmem:s8], [sflag:$0x1] =	stream.indirect_vreg.gather [hbm4b:s3+s2], $0x80, v4, vm0, $0xb8;
	[tilespmem:$0x18100] =	vst v63  }
0x39: {  	s0 =	rddreg [dreg:$0x8];
	v3 =	vadd.s32 v1, v3  }
0x3a: {  	[tilespmem:s0], [sflag:$0x1] =	stream.indirect_vreg.gather [hbm4b:s4+s2], $0x80, v4, vm0, $0xb8;
	[tilespmem:$0x18100] =	vst v63  }
0x3b: {  	s10 =	rddreg [dreg:$0x9]  }
0x3c: {  	[tilespmem:s10], [sflag:$0x1] =	stream.indirect_vreg.gather [hbm4b:s5+s2], $0x80, v4, vm0, $0xb8;
	[tilespmem:$0x18100] =	vst v63  }
0x3d: {  	s0 =	rddreg [dreg:$0xa]  }
0x3e: {  	[tilespmem:s0], [sflag:$0x1] =	stream.indirect_vreg.gather [hbm4b:s3+s2], $0x80, v3, vm0, $0xb8;
	[tilespmem:$0x18100] =	vst v63  }
0x3f: {  	s10 =	rddreg [dreg:$0xb]  }
0x40: {  	[tilespmem:s10], [sflag:$0x1] =	stream.indirect_vreg.gather [hbm4b:s4+s2], $0x80, v3, vm0, $0xb8;
	[tilespmem:$0x18100] =	vst v63  }
0x41: {  	s0 =	rddreg [dreg:$0xc]  }
0x42: {  	[tilespmem:s0], [sflag:$0x1] =	stream.indirect_vreg.gather [hbm4b:s5+s2], $0x80, v3, vm0, $0xb8;
	[tilespmem:$0x18100] =	vst v63  }
0x43: {  	v3 =	vld [tilespmem:$0x10];
	_ =	sdelay $0x4  }
0x44: {  	v57 =	vshrl.u32 v3, $0x3  }
0x45: {  	v4 =	vmul.u32 $0x30, v57  }
0x46: {  	v3 =	vand.u32 $0x7, v3  }
0x47: {  	v3 =	vor.u32 v3, v4  }
0x48: {  	v4 =	vperm.xlane v3, v0;
	_ =	sdelay $0x1  }
0x49: {  	v4 =	vadd.s32 v1, v4;
	_ =	sdelay $0x3  }
0x4a: {  	s0 =	rddreg [dreg:$0xd];
	v3 =	vperm.xlane v3, v2  }
0x4b: {  	[tilespmem:s0], [sflag:$0x1] =	stream.indirect_vreg.gather [hbm4b:s3+s2], $0x80, v4, vm0, $0xb8;
	[tilespmem:$0x18100] =	vst v63  }
0x4c: {  	s10 =	rddreg [dreg:$0xe];
	v3 =	vadd.s32 v1, v3  }
0x4d: {  	[tilespmem:s10], [sflag:$0x1] =	stream.indirect_vreg.gather [hbm4b:s4+s2], $0x80, v4, vm0, $0xb8;
	[tilespmem:$0x18100] =	vst v63  }
0x4e: {  	s0 =	rddreg [dreg:$0xf]  }
0x4f: {  	[tilespmem:s0], [sflag:$0x1] =	stream.indirect_vreg.gather [hbm4b:s5+s2], $0x80, v4, vm0, $0xb8;
	[tilespmem:$0x18100] =	vst v63  }
0x50: {  	s10 =	rddreg [dreg:$0x10]  }
0x51: {  	[tilespmem:s10], [sflag:$0x1] =	stream.indirect_vreg.gather [hbm4b:s3+s2], $0x80, v3, vm0, $0xb8;
	[tilespmem:$0x18100] =	vst v63  }
0x52: {  	s0 =	rddreg [dreg:$0x11]  }
0x53: {  	[tilespmem:s0], [sflag:$0x1] =	stream.indirect_vreg.gather [hbm4b:s4+s2], $0x80, v3, vm0, $0xb8;
	[tilespmem:$0x18100] =	vst v63  }
0x54: {  	s10 =	rddreg [dreg:$0x12]  }
0x55: {  	[tilespmem:s10], [sflag:$0x1] =	stream.indirect_vreg.gather [hbm4b:s5+s2], $0x80, v3, vm0, $0xb8;
	[tilespmem:$0x18100] =	vst v63  }
0x56: {  	v3 =	vld [tilespmem:$0x20];
	_ =	sdelay $0x4  }
0x57: {  	v58 =	vshrl.u32 v3, $0x3  }
0x58: {  	v4 =	vmul.u32 $0x30, v58  }
0x59: {  	v3 =	vand.u32 $0x7, v3  }
0x5a: {  	v3 =	vor.u32 v3, v4  }
0x5b: {  	v4 =	vperm.xlane v3, v0;
	_ =	sdelay $0x1  }
0x5c: {  	v4 =	vadd.s32 v1, v4;
	_ =	sdelay $0x3  }
0x5d: {  	s0 =	rddreg [dreg:$0x13];
	v3 =	vperm.xlane v3, v2  }
0x5e: {  	[tilespmem:s0], [sflag:$0x1] =	stream.indirect_vreg.gather [hbm4b:s3+s2], $0x80, v4, vm0, $0xb8;
	[tilespmem:$0x18100] =	vst v63  }
0x5f: {  	s10 =	rddreg [dreg:$0x14];
	v3 =	vadd.s32 v1, v3  }
0x60: {  	[tilespmem:s10], [sflag:$0x1] =	stream.indirect_vreg.gather [hbm4b:s4+s2], $0x80, v4, vm0, $0xb8;
	[tilespmem:$0x18100] =	vst v63  }
0x61: {  	s0 =	rddreg [dreg:$0x15]  }
0x62: {  	[tilespmem:s0], [sflag:$0x1] =	stream.indirect_vreg.gather [hbm4b:s5+s2], $0x80, v4, vm0, $0xb8;
	[tilespmem:$0x18100] =	vst v63  }
0x63: {  	s10 =	rddreg [dreg:$0x16]  }
0x64: {  	[tilespmem:s10], [sflag:$0x1] =	stream.indirect_vreg.gather [hbm4b:s3+s2], $0x80, v3, vm0, $0xb8;
	[tilespmem:$0x18100] =	vst v63  }
0x65: {  	s0 =	rddreg [dreg:$0x17]  }
0x66: {  	[tilespmem:s0], [sflag:$0x1] =	stream.indirect_vreg.gather [hbm4b:s4+s2], $0x80, v3, vm0, $0xb8;
	[tilespmem:$0x18100] =	vst v63  }
0x67: {  	s10 =	rddreg [dreg:$0x18]  }
0x68: {  	[tilespmem:s10], [sflag:$0x1] =	stream.indirect_vreg.gather [hbm4b:s5+s2], $0x80, v3, vm0, $0xb8;
	[tilespmem:$0x18100] =	vst v63  }
0x69: {  	v3 =	vld [tilespmem:$0x30];
	_ =	sdelay $0x4  }
0x6a: {  	v59 =	vshrl.u32 v3, $0x3  }
0x6b: {  	v4 =	vmul.u32 $0x30, v59  }
0x6c: {  	v3 =	vand.u32 $0x7, v3  }
0x6d: {  	v3 =	vor.u32 v3, v4  }
0x6e: {  	v4 =	vperm.xlane v3, v0;
	_ =	sdelay $0x1  }
0x6f: {  	v4 =	vadd.s32 v1, v4;
	_ =	sdelay $0x3  }
0x70: {  	s0 =	rddreg [dreg:$0x19];
	v3 =	vperm.xlane v3, v2  }
0x71: {  	[tilespmem:s0], [sflag:$0x1] =	stream.indirect_vreg.gather [hbm4b:s3+s2], $0x80, v4, vm0, $0xb8;
	[tilespmem:$0x18100] =	vst v63  }
0x72: {  	s10 =	rddreg [dreg:$0x1a];
	v3 =	vadd.s32 v1, v3  }
0x73: {  	[tilespmem:s10], [sflag:$0x1] =	stream.indirect_vreg.gather [hbm4b:s4+s2], $0x80, v4, vm0, $0xb8;
	[tilespmem:$0x18100] =	vst v63  }
0x74: {  	s0 =	rddreg [dreg:$0x1b]  }
0x75: {  	[tilespmem:s0], [sflag:$0x1] =	stream.indirect_vreg.gather [hbm4b:s5+s2], $0x80, v4, vm0, $0xb8;
	[tilespmem:$0x18100] =	vst v63  }
0x76: {  	s10 =	rddreg [dreg:$0x1c]  }
0x77: {  	[tilespmem:s10], [sflag:$0x1] =	stream.indirect_vreg.gather [hbm4b:s3+s2], $0x80, v3, vm0, $0xb8;
	[tilespmem:$0x18100] =	vst v63  }
0x78: {  	s0 =	rddreg [dreg:$0x1d]  }
0x79: {  	[tilespmem:s0], [sflag:$0x1] =	stream.indirect_vreg.gather [hbm4b:s4+s2], $0x80, v3, vm0, $0xb8;
	[tilespmem:$0x18100] =	vst v63  }
0x7a: {  	s10 =	rddreg [dreg:$0x1e]  }
0x7b: {  	[tilespmem:s10], [sflag:$0x1] =	stream.indirect_vreg.gather [hbm4b:s5+s2], $0x80, v3, vm0, $0xb8;
	[tilespmem:$0x18100] =	vst v63  }
0x7c: {  	v3 =	vld [tilespmem:$0x80];
	_ =	sdelay $0x4  }
0x7d: {  	v60 =	vshrl.u32 v3, $0x3  }
0x7e: {  	v4 =	vmul.u32 $0x30, v60  }
0x7f: {  	v3 =	vand.u32 $0x7, v3  }
0x80: {  	v3 =	vor.u32 v3, v4  }
0x81: {  	v4 =	vperm.xlane v3, v0;
	_ =	sdelay $0x1  }
0x82: {  	v4 =	vadd.s32 v1, v4;
	_ =	sdelay $0x3  }
0x83: {  	s0 =	rddreg [dreg:$0x1f];
	v3 =	vperm.xlane v3, v2  }
0x84: {  	[tilespmem:s9], [sflag:$0x2] =	stream.indirect_vreg.gather [hbm4b:s3+s2], $0x80, v4, vm0, $0xb8;
	[tilespmem:$0x18100] =	vst v63  }
0x85: {  	s10 =	sld [smem:$0x7FC];
	v3 =	vadd.s32 v1, v3  }
0x86: {  	[tilespmem:s0], [sflag:$0x2] =	stream.indirect_vreg.gather [hbm4b:s4+s2], $0x80, v4, vm0, $0xb8;
	[tilespmem:$0x18100] =	vst v63  }
0x87: {  	s0 =	sld [smem:$0x7FD]  }
0x88: {  	[tilespmem:s10], [sflag:$0x2] =	stream.indirect_vreg.gather [hbm4b:s5+s2], $0x80, v4, vm0, $0xb8;
	[tilespmem:$0x18100] =	vst v63  }
0x89: {  	_ = 	snop  }
0x8a: {  	[tilespmem:s0], [sflag:$0x2] =	stream.indirect_vreg.gather [hbm4b:s3+s2], $0x80, v3, vm0, $0xb8;
	[tilespmem:$0x18100] =	vst v63  }
0x8b: {  	s10 =	simm.s32 $0xE100  }
0x8c: {  	[tilespmem:s10], [sflag:$0x2] =	stream.indirect_vreg.gather [hbm4b:s4+s2], $0x80, v3, vm0, $0xb8;
	[tilespmem:$0x18100] =	vst v63  }
0x8d: {  	_ = 	snop  }
0x8e: {  	[tilespmem:s11], [sflag:$0x2] =	stream.indirect_vreg.gather [hbm4b:s5+s2], $0x80, v3, vm0, $0xb8;
	[tilespmem:$0x18100] =	vst v63  }
0x8f: {  	v3 =	vld [tilespmem:$0x90];
	_ =	sdelay $0x4  }
0x90: {  	v61 =	vshrl.u32 v3, $0x3  }
0x91: {  	v4 =	vmul.u32 $0x30, v61  }
0x92: {  	v3 =	vand.u32 $0x7, v3  }
0x93: {  	v3 =	vor.u32 v3, v4  }
0x94: {  	v4 =	vperm.xlane v3, v0;
	_ =	sdelay $0x1  }
0x95: {  	v4 =	vadd.s32 v1, v4;
	_ =	sdelay $0x3  }
0x96: {  	v3 =	vperm.xlane v3, v2  }
0x97: {  	[tilespmem:s12], [sflag:$0x2] =	stream.indirect_vreg.gather [hbm4b:s3+s2], $0x80, v4, vm0, $0xb8;
	[tilespmem:$0x18100] =	vst v63  }
0x98: {  	v3 =	vadd.s32 v1, v3  }
0x99: {  	[tilespmem:s13], [sflag:$0x2] =	stream.indirect_vreg.gather [hbm4b:s4+s2], $0x80, v4, vm0, $0xb8;
	[tilespmem:$0x18100] =	vst v63  }
0x9a: {  	_ = 	snop  }
0x9b: {  	[tilespmem:s14], [sflag:$0x2] =	stream.indirect_vreg.gather [hbm4b:s5+s2], $0x80, v4, vm0, $0xb8;
	[tilespmem:$0x18100] =	vst v63  }
0x9c: {  	_ = 	snop  }
0x9d: {  	[tilespmem:s15], [sflag:$0x2] =	stream.indirect_vreg.gather [hbm4b:s3+s2], $0x80, v3, vm0, $0xb8;
	[tilespmem:$0x18100] =	vst v63  }
0x9e: {  	_ = 	snop  }
0x9f: {  	[tilespmem:s16], [sflag:$0x2] =	stream.indirect_vreg.gather [hbm4b:s4+s2], $0x80, v3, vm0, $0xb8;
	[tilespmem:$0x18100] =	vst v63  }
0xa0: {  	_ = 	snop  }
0xa1: {  	[tilespmem:s17], [sflag:$0x2] =	stream.indirect_vreg.gather [hbm4b:s5+s2], $0x80, v3, vm0, $0xb8;
	[tilespmem:$0x18100] =	vst v63  }
0xa2: {  	v3 =	vld [tilespmem:$0xA0];
	_ =	sdelay $0x4  }
0xa3: {  	v62 =	vshrl.u32 v3, $0x3  }
0xa4: {  	v4 =	vmul.u32 $0x30, v62  }
0xa5: {  	v3 =	vand.u32 $0x7, v3  }
0xa6: {  	v3 =	vor.u32 v3, v4  }
0xa7: {  	v4 =	vperm.xlane v3, v0;
	_ =	sdelay $0x1  }
0xa8: {  	v4 =	vadd.s32 v1, v4;
	_ =	sdelay $0x3  }
0xa9: {  	v3 =	vperm.xlane v3, v2  }
0xaa: {  	[tilespmem:s18], [sflag:$0x2] =	stream.indirect_vreg.gather [hbm4b:s3+s2], $0x80, v4, vm0, $0xb8;
	[tilespmem:$0x18100] =	vst v63  }
0xab: {  	v3 =	vadd.s32 v1, v3  }
0xac: {  	[tilespmem:s19], [sflag:$0x2] =	stream.indirect_vreg.gather [hbm4b:s4+s2], $0x80, v4, vm0, $0xb8;
	[tilespmem:$0x18100] =	vst v63  }
0xad: {  	_ = 	snop  }
0xae: {  	[tilespmem:s20], [sflag:$0x2] =	stream.indirect_vreg.gather [hbm4b:s5+s2], $0x80, v4, vm0, $0xb8;
	[tilespmem:$0x18100] =	vst v63  }
0xaf: {  	_ = 	snop  }
0xb0: {  	[tilespmem:s21], [sflag:$0x2] =	stream.indirect_vreg.gather [hbm4b:s3+s2], $0x80, v3, vm0, $0xb8;
	[tilespmem:$0x18100] =	vst v63  }
0xb1: {  	_ = 	snop  }
0xb2: {  	[tilespmem:s22], [sflag:$0x2] =	stream.indirect_vreg.gather [hbm4b:s4+s2], $0x80, v3, vm0, $0xb8;
	[tilespmem:$0x18100] =	vst v63  }
0xb3: {  	_ = 	snop  }
0xb4: {  	[tilespmem:s23], [sflag:$0x2] =	stream.indirect_vreg.gather [hbm4b:s5+s2], $0x80, v3, vm0, $0xb8;
	[tilespmem:$0x18100] =	vst v63  }
0xb5: {  	v3 =	vld [tilespmem:$0xB0];
	_ =	sdelay $0x4  }
0xb6: {  	v63 =	vshrl.u32 v3, $0x3  }
0xb7: {  	v4 =	vmul.u32 $0x30, v63  }
0xb8: {  	v3 =	vand.u32 $0x7, v3  }
0xb9: {  	v3 =	vor.u32 v3, v4  }
0xba: {  	v4 =	vperm.xlane v3, v0;
	_ =	sdelay $0x1  }
0xbb: {  	v4 =	vadd.s32 v1, v4;
	_ =	sdelay $0x3  }
0xbc: {  	v3 =	vperm.xlane v3, v2  }
0xbd: {  	[tilespmem:s24], [sflag:$0x2] =	stream.indirect_vreg.gather [hbm4b:s3+s2], $0x80, v4, vm0, $0xb8;
	[tilespmem:$0x18100] =	vst v63  }
0xbe: {  	v3 =	vadd.s32 v1, v3  }
0xbf: {  	[tilespmem:s25], [sflag:$0x2] =	stream.indirect_vreg.gather [hbm4b:s4+s2], $0x80, v4, vm0, $0xb8;
	[tilespmem:$0x18100] =	vst v63  }
0xc0: {  	_ = 	snop  }
0xc1: {  	[tilespmem:s26], [sflag:$0x2] =	stream.indirect_vreg.gather [hbm4b:s5+s2], $0x80, v4, vm0, $0xb8;
	[tilespmem:$0x18100] =	vst v63  }
0xc2: {  	_ = 	snop  }
0xc3: {  	[tilespmem:s28], [sflag:$0x2] =	stream.indirect_vreg.gather [hbm4b:s3+s2], $0x80, v3, vm0, $0xb8;
	[tilespmem:$0x18100] =	vst v63  }
0xc4: {  	_ = 	snop  }
0xc5: {  	[tilespmem:s29], [sflag:$0x2] =	stream.indirect_vreg.gather [hbm4b:s4+s2], $0x80, v3, vm0, $0xb8;
	[tilespmem:$0x18100] =	vst v63  }
0xc6: {  	_ = 	snop  }
0xc7: {  	[tilespmem:s30], [sflag:$0x2] =	stream.indirect_vreg.gather [hbm4b:s5+s2], $0x80, v3, vm0, $0xb8;
	[tilespmem:$0x18100] =	vst v63  }
0xc8: {  	_ =	swait.ge [sflag:s31], $0xC000  }
0xc9: {  	[sflag:s31] =	ssyncset.done $0x0  }
0xca: {  	s10 =	rddreg [dreg:$0x5];
	[sflag:s31] =	ssyncadd.s32 $0xFFFF4000  }
0xcb: {  	[hbm4b:s10+s2] =	stream.linear.scatter [tilespmem:s8], [sflag:$0x3], $0xC000, $0x38;
	[tilespmem:$0x18100] =	vst v63  }
0xcc: {  	_ =	swait.ge [sflag:s7], $0xC000  }
0xcd: {  	[sflag:s7] =	ssyncset.done $0x0  }
0xce: {  	[sflag:s7] =	ssyncadd.s32 $0xFFFF4000  }
0xcf: {  	_ =	swait.ge [sflag:s1], $0xC000  }
0xd0: {  	p0 =	sne.s32 s6, $0x1;
	[sflag:s1] =	ssyncset.done $0x0  }
.Ltmp0:
0xd1: {  	s10 =	rddreg [dreg:$0x6];
	[sflag:s1] =	ssyncadd.s32 $0xFFFF4000;
	(pc) =	sbr.rel @p0 .LBB2_1-.Ltmp0, $4  }
0xd2: {  	[hbm4b:s10+s2] =	stream.linear.scatter [tilespmem:s9], [sflag:$0x3], $0xC000, $0x38;
	[tilespmem:$0x18100] =	vst v63  }
0xd3: {  	_ =	swait.ge [sflag:s7], $0xC000  }
0xd4: {  	[sflag:s7] =	ssyncset.done $0x0  }
0xd5: {  	s6 =	sadd.s32 $0xFFFFFFFF, s6;
	[sflag:s7] =	ssyncadd.s32 $0xFFFF4000  }
0xd6: {  	_ =	sfence.sel $0x180000  }
0xd7: {  	[bflag:$0x0] =	sbarrier.arrive $0xFFFF  }
0xd8: {  	_ =	strace $0x9000004A  }
0xd9: {  	s0 =	stileid.u32;
	[bflag:$0x2] =	sbarrier.arrive $0xFFFF  }
0xda: {  	p0 =	sne.s32 s0, $0x0;
	s0 =	rddreg [dreg:$0x2]  }
0xdb: {  	s0 =	sadd.s32 @!p0 $0x100000, s0  }
0xdc: {  	[sflag:s0] =	ssyncadd.tile.s32 @!p0 $0x1;
	_ =	shalt  }
.Lfunc_end2:
_tile_overlayer_lowered:
.L_overlay_start_2:
0xdd: {  	(tag) =	ssettag $0x2  }
0xde: {  	s0 =	rddreg [dreg:$0x0];
	s2 =	stileid.u32  }
0xdf: {  	s1 =	rddreg [dreg:$0x1];
	p0 =	sne.s32 s2, $0x0  }
0xe0: {  	s3 =	rddreg [dreg:$0x2];
	[bflag:$0x3] =	sbarrier.arrive $0xFFFF;
	s2 =	simm.s32 @!p0 $0x1C03  }
0xe1: {  	[timem:s3], [sflag:s2] =	dma.local @!p0 [hbm:s0], s1  }
0xe2: {  	s0 =	simm.s32 @!p0 $0x3  }
0xe3: {  	_ =	swait.ge @!p0 [sflag:s0], s1  }
0xe4: {  	s1 =	ssub.s32 @!p0 $0x0, s1;
	[sflag:s0] =	ssyncset.done @!p0 $0x0  }
0xe5: {  	[sflag:s0] =	ssyncadd.s32 @!p0 s1  }
0xe6: {  	[bflag:$0x3] =	sbarrier.arrive $0xFFFF  }
0xe7: {  	_ =	shalt  }

// kernel: kernel.7.cloned.1.call-start
scs
__scs_entry_jumppad:
0x0: {  	(pc) =	sbr.rel $0x88, $3  }
0x1: {  	(tag) =	ssettag $0x0;
	lr =	simm.s32 $0x1  }
0x2: {  	[smem:$0x3F9A] =	sst lr;
	_ =	strace $0xD0000000  }
0x3: {  	_ = 	snop  }
0x4: {  	_ = 	snop  }
0x5: {  	_ = 	snop  }
0x6: {  	_ = 	snop  }
0x7: {  	_ = 	snop  }
__scs_overlays_trampoline_lowered:
0x8: {  	[smem:$0x3FA9] =	sst s0  }
0x9: {  	[smem:$0x3FAA] =	sst s1  }
0xa: {  	[smem:$0x3FAB] =	sst s2  }
0xb: {  	[smem:$0x3FAC] =	sst s3  }
0xc: {  	[smem:$0x3FAD] =	sst s4  }
0xd: {  	[smem:$0x3FAE] =	sst s5  }
0xe: {  	[smem:$0x3FAF] =	sst s6  }
0xf: {  	[smem:$0x3FB0] =	sst s7  }
0x10: {  	[smem:$0x3FB1] =	sst s8  }
0x11: {  	[smem:$0x3FB2] =	sst s9;
	s0 =	simm.s32 @!p0 $0x0  }
0x12: {  	s1 =	sld [smem:$0x3F98];
	s0 =	simm.s32 @p0 $0x1  }
0x13: {  	[smem:$0x3FB3] =	sst s0;
	s0 =	simm.s32 @!p1 $0x0  }
0x14: {  	s2 =	sld [smem:$0x3F97];
	s0 =	simm.s32 @p1 $0x1  }
0x15: {  	[smem:$0x3FB4] =	sst s0;
	s0 =	simm.s32 @!p2 $0x0  }
0x16: {  	s3 =	sld [smem:$0x3FDB];
	s0 =	simm.s32 @p2 $0x1  }
0x17: {  	s4 =	simm.s32 $0x1BF5;
	[smem:$0x3FB6] =	sst s0  }
0x18: {  	s0 =	sld [smem:$0x3F99];
	_ =	swait.ge [sflag:s4], $0x0  }
0x19: {  	s7 =	sld [smem:$0x3F9A]  }
0x1a: {  	s8 =	sadd.s32 $0xFFFFE003, lr  }
0x1b: {  	s9 =	sadd.s32 $0xFFFFFEF7, lr;
	s5 =	simm.s32 $0xFFFFFFFF;
	p2 =	slt.u32 s8, $0xFFFFF086  }
0x1c: {  	p1 =	slt.u32 s9, $0xF7A;
	s5 =	simm.s32 @!p2 $0x0  }
0x1d: {  	s5 =	simm.s32 @p1 $0x1;
	p0 =	seq.s32 s7, s2  }
0x1e: {  	s7 =	smul.u32 @!p0 $0xF7A, s2;
	p2 =	seq.s32 @!p0 s5, $0x0  }
0x1f: {  	s9 =	smul.u32 $0xF7A, s1;
	s8 =	simm.s32 @!p0 $0x1BF5;
	p2 =	por !p2, p0  }
0x20: {  	[sflag:s8] =	ssyncset.s32 @!p0 $0xFFFFF086;
	s6 =	sadd.s32 @!p0 s3, s7;
	s7 =	simm.s32 @!p0 $0x108  }
0x21: {  	s3 =	sadd.s32 s3, s9;
	s6 =	sadd.s32 @!p0 $0x88, s6;
	s7 =	simm.s32 @p2 $0x1082  }
0x22: {  	[simem:s7], [sflag:s8] =	dma.local @!p0 [hbm:s6], $0xF7A  }
0x23: {  	s9 =	sor.u32 $0xD0000000, s2;
	s6 =	simm.s32 $0x108;
	_ =	swait.ge @!p0 [sflag:s8], $0x0  }
0x24: {  	s3 =	sadd.s32 $0x88, s3;
	s6 =	simm.s32 @!p1 $0x1082;
	[sflag:s4] =	ssyncset.s32 $0xFFFFF086  }
0x25: {  	[simem:s6], [sflag:s4] =	dma.local [hbm:s3], $0xF7A  }
0x26: {  	[smem:$0x3F9A] =	sst s1;
	(tag) =	ssettag s2;
	_ =	strace s9  }
0x27: {  	s1 =	sld [smem:$0x3FAA]  }
0x28: {  	s2 =	sld [smem:$0x3FAB]  }
0x29: {  	s4 =	sld [smem:$0x3FAD]  }
0x2a: {  	p0 =	seq.s32 s5, $0x0;
	s5 =	sld [smem:$0x3FAE]  }
0x2b: {  	s6 =	sld [smem:$0x3FAF]  }
0x2c: {  	s7 =	sld [smem:$0x3FB0]  }
0x2d: {  	s3 =	simm.s32 $0x108;
	s8 =	sld [smem:$0x3FB1]  }
0x2e: {  	s3 =	simm.s32 @!p0 $0x1082;
	s9 =	sld [smem:$0x3FB2]  }
0x2f: {  	lr =	sadd.s32 s0, s3;
	s0 =	sld [smem:$0x3FA9]  }
0x30: {  	s3 =	sld [smem:$0x3FAC]  }
0x31: {  	[smem:$0x3FB5] =	sst s10  }
0x32: {  	s10 =	sld [smem:$0x3FB3];
	_ =	sdelay $0x3  }
0x33: {  	p0 =	seq.s32 s10, $0x1;
	s10 =	sld [smem:$0x3FB5];
	_ =	sdelay $0x3  }
0x34: {  	[smem:$0x3FB5] =	sst s10  }
0x35: {  	s10 =	sld [smem:$0x3FB4];
	_ =	sdelay $0x3  }
0x36: {  	p1 =	seq.s32 s10, $0x1;
	s10 =	sld [smem:$0x3FB5];
	_ =	sdelay $0x3  }
0x37: {  	[smem:$0x3FB5] =	sst s10  }
0x38: {  	s10 =	sld [smem:$0x3FB6]  }
0x39: {  	_ = 	snop;
	(pc) =	sbr.ind lr, $3  }
0x3a: {  	_ = 	snop  }
0x3b: {  	_ = 	snop  }
0x3c: {  	p2 =	seq.s32 s10, $0x1;
	s10 =	sld [smem:$0x3FB5]  }
0x3d: {  	_ =	shalt  }
0x3e: {  	_ =	shalt  }
0x3f: {  	_ =	shalt  }
0x40: {  	_ =	shalt  }
0x41: {  	_ =	shalt  }
0x42: {  	_ =	shalt  }
0x43: {  	_ =	shalt  }
0x44: {  	_ =	shalt  }
0x45: {  	_ =	shalt  }
0x46: {  	_ =	shalt  }
0x47: {  	_ =	shalt  }
0x48: {  	_ =	shalt  }
0x49: {  	_ =	shalt  }
0x4a: {  	_ =	shalt  }
0x4b: {  	_ =	shalt  }
0x4c: {  	_ =	shalt  }
0x4d: {  	_ =	shalt  }
0x4e: {  	_ =	shalt  }
0x4f: {  	_ =	shalt  }
0x50: {  	_ =	shalt  }
0x51: {  	_ =	shalt  }
0x52: {  	_ =	shalt  }
0x53: {  	_ =	shalt  }
0x54: {  	_ =	shalt  }
0x55: {  	_ =	shalt  }
0x56: {  	_ =	shalt  }
0x57: {  	_ =	shalt  }
0x58: {  	_ =	shalt  }
0x59: {  	_ =	shalt  }
0x5a: {  	_ =	shalt  }
0x5b: {  	_ =	shalt  }
0x5c: {  	_ =	shalt  }
0x5d: {  	_ =	shalt  }
0x5e: {  	_ =	shalt  }
0x5f: {  	_ =	shalt  }
0x60: {  	_ =	shalt  }
0x61: {  	_ =	shalt  }
0x62: {  	_ =	shalt  }
0x63: {  	_ =	shalt  }
0x64: {  	_ =	shalt  }
0x65: {  	_ =	shalt  }
0x66: {  	_ =	shalt  }
0x67: {  	_ =	shalt  }
0x68: {  	_ =	shalt  }
0x69: {  	_ =	shalt  }
0x6a: {  	_ =	shalt  }
0x6b: {  	_ =	shalt  }
0x6c: {  	_ =	shalt  }
0x6d: {  	_ =	shalt  }
0x6e: {  	_ =	shalt  }
0x6f: {  	_ =	shalt  }
0x70: {  	_ =	shalt  }
0x71: {  	_ =	shalt  }
0x72: {  	_ =	shalt  }
0x73: {  	_ =	shalt  }
0x74: {  	_ =	shalt  }
0x75: {  	_ =	shalt  }
0x76: {  	_ =	shalt  }
0x77: {  	_ =	shalt  }
0x78: {  	_ =	shalt  }
0x79: {  	_ =	shalt  }
0x7a: {  	_ =	shalt  }
0x7b: {  	_ =	shalt  }
0x7c: {  	_ =	shalt  }
0x7d: {  	_ =	shalt  }
0x7e: {  	_ =	shalt  }
0x7f: {  	_ =	shalt  }
0x80: {  	_ =	shalt  }
0x81: {  	_ =	shalt  }
0x82: {  	_ =	shalt  }
0x83: {  	_ =	shalt  }
0x84: {  	_ =	shalt  }
0x85: {  	_ =	shalt  }
0x86: {  	_ =	shalt  }
0x87: {  	_ =	shalt  }
.Lfunc_end0:
.L_simem_size_0:
called_computation_lowered:
.L_overlay_start_0:
0x88: {  	s2 =	sld [smem:$0x3FD9]  }
0x89: {  	s3 =	sld [smem:$0x3FFE];
	_ =	sdelay $0x1  }
0x8a: {  	s1 =	srdreg.scid  }
0x8b: {  	s0 =	sand.u32 $0x1, s1  }
0x8c: {  	s17 =	sshll.u32 s0, $0xA;
	s2 =	sadd.s32 s3, s2  }
0x8d: {  	s2 =	sadd.s32 s2, s17  }
0x8e: {  	[smem:$0x3FC1] =	sst s2  }
0x8f: {  	_ = 	snop  }
0x90: {  	s2 =	sld [smem:$0x3FC9];
	(tm) =	ssettm $0x1  }
0x91: {  	s18 =	sld [smem:$0x3FFB];
	_ =	sdelay $0x3  }
0x92: {  	_ =	strace s18  }
0x93: {  	s3 =	sld [smem:$0x3FFC];
	_ =	sdelay $0x3  }
0x94: {  	_ =	strace s3  }
0x95: {  	s3 =	sld [smem:$0x3FFD];
	_ =	sdelay $0x3  }
0x96: {  	_ =	strace s3  }
0x97: {  	_ =	strace $0x8FFFFFFF  }
0x98: {  	s19 =	sld [smem:$0x3FDB];
	_ =	sdelay $0x1  }
0x99: {  	s4 =	simm.s32 $_scs_section_size  }
0x9a: {  	s5 =	simm.s32 $_size__tile_overlayer_lowered;
	s6 =	simm.s32 $_tile_overlayer_lowered  }
0x9b: {  	s22 =	simm.s32 $0x1BFF;
	s21 =	sshll.u32 s6, $0x1;
	s3 =	sadd.s32 s4, s19  }
0x9c: {  	s7 =	simm.s32 $0x0;
	s20 =	sshll.u32 s5, $0x1;
	s5 =	sadd.s32 s21, s3  }
0x9d: {  	[timem:s7], [sflag:s22] =	dma.local [hbm:s5], s20  }
0x9e: {  	_ =	swait.ge [sflag:s22], s20  }
0x9f: {  	s4 =	ssub.s32 $0x0, s20;
	[sflag:s22] =	ssyncset.done $0x0  }
0xa0: {  	[sflag:s22] =	ssyncadd.s32 s4;
	_ =	sdelay $0x1  }
0xa1: {  	s23 =	simm.s32 $0x1B8B  }
0xa2: {  	_ =	swait.ge [sflag:s23], $0x1  }
0xa3: {  	[sflag:s23] =	ssyncset.done $0x0  }
0xa4: {  	s25 =	simm.s32 $0x1B8E;
	s24 =	sld [smem:$0x3FFE];
	[sflag:s23] =	ssyncadd.s32 $0xFFFFFFFF  }
0xa5: {  	s26 =	simm.s32 $execute0_lowered;
	[smem:$0x3FD2] =	sst s25  }
0xa6: {  	s5 =	sshll.u32 s26, $0x1;
	_ =	strace $0x80000046;
	[dreg:$0x1] =	wrdreg $0xFFFFFFFF  }
0xa7: {  	s28 =	simm.s32 $_size_execute0_lowered;
	s3 =	sadd.s32 s3, s5;
	[dreg:$0x0] =	wrdreg $0x0  }
0xa8: {  	s5 =	sshll.u32 s28, $0x1;
	[dreg:$0x2] =	wrdreg s3  }
0xa9: {  	[dreg:$0x3] =	wrdreg s5  }
0xaa: {  	[dreg:$0x4] =	wrdreg $0xC0  }
0xab: {  	_ =	task [dreg:s7], $0x5FFFF  }
0xac: {  	[dreg:$0x1] =	wrdreg $0xFFFFFFFF  }
0xad: {  	[dreg:$0x0] =	wrdreg $0x60  }
0xae: {  	[dreg:$0x2] =	wrdreg s2  }
0xaf: {  	[dreg:$0x3] =	wrdreg s24  }
0xb0: {  	[dreg:$0x4] =	wrdreg $0x9  }
0xb1: {  	_ =	task.clear_ibuf [dreg:s7], $0x5FFFF;
	_ =	strace $0x90000046  }
0xb2: {  	s29 =	simm.s32 $0x9;
	_ =	strace $0x80000048  }
0xb3: {  	_ =	swait.ge [sflag:s29], $0x1  }
0xb4: {  	[sflag:s29] =	ssyncadd.s32 $0xFFFFFFFF  }
0xb5: {  	_ =	strace $0x90000048  }
0xb6: {  	_ =	sfence  }
0xb7: {  	s30 =	sld [smem:$0x0];
	_ =	sdelay $0x2  }
0xb8: {  	s31 =	sshll.u32 s1, $0xD;
	s1 =	sshrl.u32 s1, $0x2  }
0xb9: {  	s3 =	sand.u32 $0x4000, s31;
	s1 =	sadd.s32 s1, s30  }
0xba: {  	s0 =	sor.u32 s3, s0;
	s1 =	sshll.u32 s1, $0x11  }
0xbb: {  	s0 =	sor.u32 s1, s0  }
0xbc: {  	s0 =	sadd.s32 $0x8F2B, s0  }
0xbd: {  	[sflag:s0] =	ssyncadd.remote.s32 $0x1  }
0xbe: {  	_ =	sfence.sel $0xFFFF  }
0xbf: {  	[dreg:$0x0] =	wrdreg $0xFFFFFFFF;
	(pc) =	sbr.abs _section_cstart, $3  }
0xc0: {  	[dreg:$0x1] =	wrdreg $0xFFFFFFFF  }
0xc1: {  	_ =	task.clear_ibuf [dreg:s7], $0x2FFFF;
	_ =	strace $0x9FFFFFFF  }
0xc2: {  	(tm) =	ssettm $0x7FFFFFFF  }
0xc3: {  	_ =	shalt  }
tec
execute0_lowered:
.L_overlay_start_1:
0x0: {  	(tag) =	ssettag $0x1  }
0x1: {  	s0 =	rddreg [dreg:$0x0]  }
0x2: {  	s1 =	rddreg [dreg:$0x1]  }
0x3: {  	s2 =	srdreg.scid;
	s3 =	stileid.u32  }
0x4: {  	s26 =	simm.s32 $0x80;
	s8 =	simm.s32 $0x100;
	s11 =	simm.s32 $0x1900  }
0x5: {  	s12 =	simm.s32 $0x2100;
	s13 =	simm.s32 $0x2900;
	s14 =	simm.s32 $0x3100  }
0x6: {  	s15 =	simm.s32 $0x3900;
	s16 =	simm.s32 $0x4100;
	s17 =	simm.s32 $0x4900  }
0x7: {  	s18 =	simm.s32 $0x5100;
	s19 =	simm.s32 $0x5900;
	s20 =	simm.s32 $0x6100  }
0x8: {  	s21 =	simm.s32 $0x6900;
	s22 =	simm.s32 $0x7100;
	s23 =	simm.s32 $0x7900  }
0x9: {  	s28 =	simm.s32 $0x9900;
	s29 =	simm.s32 $0xA100;
	s30 =	simm.s32 $0xA900  }
0xa: {  	s31 =	simm.s32 $0xB100;
	s4 =	sand.u32 $0x1, s2;
	s2 =	simm.s32 $0x0  }
0xb: {  	s3 =	sshll.u32 s3, $0x4;
	s5 =	sshll.u32 s4, $0x3;
	[smem:$0x7FF] =	sst s2  }
0xc: {  	s4 =	ssub.s32 $0x2, s4;
	s5 =	sor.u32 s5, s3;
	_ =	strace $0x80000047  }
0xd: {  	s3 =	sadd.s32 $0x2A00, s1;
	s24 =	sshrl.u32 s4, $0x1;
	[dreg:$0x6] =	wrdreg s26  }
0xe: {  	s26 =	simm.s32 $0x9100;
	s6 =	sadd.s32 s5, s1;
	s5 =	smul.u32 $0x300, s5  }
0xf: {  	s25 =	ssub.s32 s4, s24;
	s4 =	sadd.s32 $0x2B00, s1;
	s7 =	sadd.s32 $0x2600, s6  }
0x10: {  	s24 =	simm.s32 $0x8100;
	s6 =	sadd.s32 $0x2800, s6;
	[dreg:$0x3] =	wrdreg s7  }
0x11: {  	v2 =	vlaneseq.u32;
	[dreg:$0x4] =	wrdreg s6;
	s0 =	sadd.s32 s0, s5;
	s5 =	sadd.s32 $0x2C00, s1  }
0x12: {  	vm0 =	vmmov $0xffff;
	v1 =	vshrl.u32 v2, $0x3;
	s6 =	smax.u32 s25, $0x1;
	s7 =	simm.s32 $0x2;
	s25 =	simm.s32 $0x8900  }
0x13: {  	v0 =	vand.u32 $0x7, v2;
	v2 =	vor.u32 $0x8, v2;
	v1 =	vmul.u32 $0x8, v1;
	s1 =	simm.s32 $0x1;
	[dreg:$0x5] =	wrdreg s0;
	s0 =	simm.s32 $0xB900  }
.LBB2_1:
0x14: {  	s9 =	rddreg [dreg:$0x3]  }
0x15: {  	[tilespmem:s2], [sflag:$0x2] =	stream.linear.gather [hbm4b:s9+s2], $0x40, $0x38;
	[tilespmem:$0xC100] =	vst v63  }
0x16: {  	_ =	swait.ge [sflag:s7], $0x40  }
0x17: {  	s9 =	rddreg [dreg:$0x4];
	[sflag:s7] =	ssyncset.done $0x0  }
0x18: {  	s10 =	rddreg [dreg:$0x6];
	[sflag:s7] =	ssyncadd.s32 $0xFFFFFFC0  }
0x19: {  	[tilespmem:s10], [sflag:$0x2] =	stream.linear.gather [hbm4b:s9+s2], $0x40, $0x38;
	[tilespmem:$0xC100] =	vst v63  }
0x1a: {  	_ =	swait.ge [sflag:s7], $0x40  }
0x1b: {  	[sflag:s7] =	ssyncset.done $0x0  }
0x1c: {  	s10 =	rddreg [dreg:$0x5];
	[sflag:s7] =	ssyncadd.s32 $0xFFFFFFC0  }
0x1d: {  	[tilespmem:s8], [sflag:$0x2] =	stream.linear.gather [hbm4b:s10+s2], $0xC000, $0x38;
	[tilespmem:$0xC100] =	vst v63  }
0x1e: {  	_ =	swait.ge [sflag:s7], $0xC000  }
0x1f: {  	[sflag:s7] =	ssyncset.done $0x0  }
0x20: {  	[sflag:s7] =	ssyncadd.s32 $0xFFFF4000  }
0x21: {  	v3 =	vld [tilespmem:$0x0];
	_ =	sdelay $0x4  }
0x22: {  	v4 =	vshrl.u32 v3, $0x3  }
0x23: {  	v4 =	vmul.u32 $0x30, v4  }
0x24: {  	v3 =	vand.u32 $0x7, v3  }
0x25: {  	v3 =	vor.u32 v3, v4  }
0x26: {  	v4 =	vperm.xlane v3, v0;
	_ =	sdelay $0x1  }
0x27: {  	v4 =	vadd.s32 v1, v4;
	_ =	sdelay $0x3  }
0x28: {  	v3 =	vperm.xlane v3, v2  }
0x29: {  	[hbm4b:s3+s2] =	stream.indirect_vreg.scatter [tilespmem:s8], [sflag:$0x1], $0x80, v4, vm0, $0xb8;
	[tilespmem:$0xC100] =	vst v63  }
0x2a: {  	s9 =	simm.s32 $0x900;
	v3 =	vadd.s32 v1, v3  }
0x2b: {  	[hbm4b:s4+s2] =	stream.indirect_vreg.scatter [tilespmem:s9], [sflag:$0x1], $0x80, v4, vm0, $0xb8;
	[tilespmem:$0xC100] =	vst v63  }
0x2c: {  	s10 =	simm.s32 $0x1100  }
0x2d: {  	[hbm4b:s5+s2] =	stream.indirect_vreg.scatter [tilespmem:s10], [sflag:$0x1], $0x80, v4, vm0, $0xb8;
	[tilespmem:$0xC100] =	vst v63  }
0x2e: {  	_ = 	snop  }
0x2f: {  	[hbm4b:s3+s2] =	stream.indirect_vreg.scatter [tilespmem:s11], [sflag:$0x1], $0x80, v3, vm0, $0xb8;
	[tilespmem:$0xC100] =	vst v63  }
0x30: {  	_ = 	snop  }
0x31: {  	[hbm4b:s4+s2] =	stream.indirect_vreg.scatter [tilespmem:s12], [sflag:$0x1], $0x80, v3, vm0, $0xb8;
	[tilespmem:$0xC100] =	vst v63  }
0x32: {  	_ = 	snop  }
0x33: {  	[hbm4b:s5+s2] =	stream.indirect_vreg.scatter [tilespmem:s13], [sflag:$0x1], $0x80, v3, vm0, $0xb8;
	[tilespmem:$0xC100] =	vst v63  }
0x34: {  	v3 =	vld [tilespmem:$0x10];
	_ =	sdelay $0x4  }
0x35: {  	v57 =	vshrl.u32 v3, $0x3  }
0x36: {  	v4 =	vmul.u32 $0x30, v57  }
0x37: {  	v3 =	vand.u32 $0x7, v3  }
0x38: {  	v3 =	vor.u32 v3, v4  }
0x39: {  	v4 =	vperm.xlane v3, v0;
	_ =	sdelay $0x1  }
0x3a: {  	v4 =	vadd.s32 v1, v4;
	_ =	sdelay $0x3  }
0x3b: {  	v3 =	vperm.xlane v3, v2  }
0x3c: {  	[hbm4b:s3+s2] =	stream.indirect_vreg.scatter [tilespmem:s14], [sflag:$0x1], $0x80, v4, vm0, $0xb8;
	[tilespmem:$0xC100] =	vst v63  }
0x3d: {  	v3 =	vadd.s32 v1, v3  }
0x3e: {  	[hbm4b:s4+s2] =	stream.indirect_vreg.scatter [tilespmem:s15], [sflag:$0x1], $0x80, v4, vm0, $0xb8;
	[tilespmem:$0xC100] =	vst v63  }
0x3f: {  	_ = 	snop  }
0x40: {  	[hbm4b:s5+s2] =	stream.indirect_vreg.scatter [tilespmem:s16], [sflag:$0x1], $0x80, v4, vm0, $0xb8;
	[tilespmem:$0xC100] =	vst v63  }
0x41: {  	_ = 	snop  }
0x42: {  	[hbm4b:s3+s2] =	stream.indirect_vreg.scatter [tilespmem:s17], [sflag:$0x1], $0x80, v3, vm0, $0xb8;
	[tilespmem:$0xC100] =	vst v63  }
0x43: {  	_ = 	snop  }
0x44: {  	[hbm4b:s4+s2] =	stream.indirect_vreg.scatter [tilespmem:s18], [sflag:$0x1], $0x80, v3, vm0, $0xb8;
	[tilespmem:$0xC100] =	vst v63  }
0x45: {  	_ = 	snop  }
0x46: {  	[hbm4b:s5+s2] =	stream.indirect_vreg.scatter [tilespmem:s19], [sflag:$0x1], $0x80, v3, vm0, $0xb8;
	[tilespmem:$0xC100] =	vst v63  }
0x47: {  	v3 =	vld [tilespmem:$0x20];
	_ =	sdelay $0x4  }
0x48: {  	v58 =	vshrl.u32 v3, $0x3  }
0x49: {  	v4 =	vmul.u32 $0x30, v58  }
0x4a: {  	v3 =	vand.u32 $0x7, v3  }
0x4b: {  	v3 =	vor.u32 v3, v4  }
0x4c: {  	v4 =	vperm.xlane v3, v0;
	_ =	sdelay $0x1  }
0x4d: {  	v4 =	vadd.s32 v1, v4;
	_ =	sdelay $0x3  }
0x4e: {  	v3 =	vperm.xlane v3, v2  }
0x4f: {  	[hbm4b:s3+s2] =	stream.indirect_vreg.scatter [tilespmem:s20], [sflag:$0x1], $0x80, v4, vm0, $0xb8;
	[tilespmem:$0xC100] =	vst v63  }
0x50: {  	v3 =	vadd.s32 v1, v3  }
0x51: {  	[hbm4b:s4+s2] =	stream.indirect_vreg.scatter [tilespmem:s21], [sflag:$0x1], $0x80, v4, vm0, $0xb8;
	[tilespmem:$0xC100] =	vst v63  }
0x52: {  	_ = 	snop  }
0x53: {  	[hbm4b:s5+s2] =	stream.indirect_vreg.scatter [tilespmem:s22], [sflag:$0x1], $0x80, v4, vm0, $0xb8;
	[tilespmem:$0xC100] =	vst v63  }
0x54: {  	_ = 	snop  }
0x55: {  	[hbm4b:s3+s2] =	stream.indirect_vreg.scatter [tilespmem:s23], [sflag:$0x1], $0x80, v3, vm0, $0xb8;
	[tilespmem:$0xC100] =	vst v63  }
0x56: {  	_ = 	snop  }
0x57: {  	[hbm4b:s4+s2] =	stream.indirect_vreg.scatter [tilespmem:s24], [sflag:$0x1], $0x80, v3, vm0, $0xb8;
	[tilespmem:$0xC100] =	vst v63  }
0x58: {  	_ = 	snop  }
0x59: {  	[hbm4b:s5+s2] =	stream.indirect_vreg.scatter [tilespmem:s25], [sflag:$0x1], $0x80, v3, vm0, $0xb8;
	[tilespmem:$0xC100] =	vst v63  }
0x5a: {  	v3 =	vld [tilespmem:$0x30];
	_ =	sdelay $0x4  }
0x5b: {  	v59 =	vshrl.u32 v3, $0x3  }
0x5c: {  	v4 =	vmul.u32 $0x30, v59  }
0x5d: {  	v3 =	vand.u32 $0x7, v3  }
0x5e: {  	v3 =	vor.u32 v3, v4  }
0x5f: {  	v4 =	vperm.xlane v3, v0;
	_ =	sdelay $0x1  }
0x60: {  	v4 =	vadd.s32 v1, v4;
	_ =	sdelay $0x3  }
0x61: {  	v3 =	vperm.xlane v3, v2  }
0x62: {  	[hbm4b:s3+s2] =	stream.indirect_vreg.scatter [tilespmem:s26], [sflag:$0x1], $0x80, v4, vm0, $0xb8;
	[tilespmem:$0xC100] =	vst v63  }
0x63: {  	v3 =	vadd.s32 v1, v3  }
0x64: {  	[hbm4b:s4+s2] =	stream.indirect_vreg.scatter [tilespmem:s28], [sflag:$0x1], $0x80, v4, vm0, $0xb8;
	[tilespmem:$0xC100] =	vst v63  }
0x65: {  	_ = 	snop  }
0x66: {  	[hbm4b:s5+s2] =	stream.indirect_vreg.scatter [tilespmem:s29], [sflag:$0x1], $0x80, v4, vm0, $0xb8;
	[tilespmem:$0xC100] =	vst v63  }
0x67: {  	_ = 	snop  }
0x68: {  	[hbm4b:s3+s2] =	stream.indirect_vreg.scatter [tilespmem:s30], [sflag:$0x1], $0x80, v3, vm0, $0xb8;
	[tilespmem:$0xC100] =	vst v63  }
0x69: {  	_ = 	snop  }
0x6a: {  	[hbm4b:s4+s2] =	stream.indirect_vreg.scatter [tilespmem:s31], [sflag:$0x1], $0x80, v3, vm0, $0xb8;
	[tilespmem:$0xC100] =	vst v63  }
0x6b: {  	_ = 	snop  }
0x6c: {  	[hbm4b:s5+s2] =	stream.indirect_vreg.scatter [tilespmem:s0], [sflag:$0x1], $0x80, v3, vm0, $0xb8;
	[tilespmem:$0xC100] =	vst v63  }
0x6d: {  	v3 =	vld [tilespmem:$0x80];
	_ =	sdelay $0x4  }
0x6e: {  	v60 =	vshrl.u32 v3, $0x3  }
0x6f: {  	v4 =	vmul.u32 $0x30, v60  }
0x70: {  	v3 =	vand.u32 $0x7, v3  }
0x71: {  	v3 =	vor.u32 v3, v4  }
0x72: {  	v4 =	vperm.xlane v3, v0;
	_ =	sdelay $0x1  }
0x73: {  	v4 =	vadd.s32 v1, v4;
	_ =	sdelay $0x3  }
0x74: {  	v3 =	vperm.xlane v3, v2  }
0x75: {  	[hbm4b:s3+s2] =	stream.indirect_vreg.scatter [tilespmem:s8], [sflag:$0x1], $0x80, v4, vm0, $0xb8;
	[tilespmem:$0xC100] =	vst v63  }
0x76: {  	v3 =	vadd.s32 v1, v3  }
0x77: {  	[hbm4b:s4+s2] =	stream.indirect_vreg.scatter [tilespmem:s9], [sflag:$0x1], $0x80, v4, vm0, $0xb8;
	[tilespmem:$0xC100] =	vst v63  }
0x78: {  	_ = 	snop  }
0x79: {  	[hbm4b:s5+s2] =	stream.indirect_vreg.scatter [tilespmem:s10], [sflag:$0x1], $0x80, v4, vm0, $0xb8;
	[tilespmem:$0xC100] =	vst v63  }
0x7a: {  	_ = 	snop  }
0x7b: {  	[hbm4b:s3+s2] =	stream.indirect_vreg.scatter [tilespmem:s11], [sflag:$0x1], $0x80, v3, vm0, $0xb8;
	[tilespmem:$0xC100] =	vst v63  }
0x7c: {  	_ = 	snop  }
0x7d: {  	[hbm4b:s4+s2] =	stream.indirect_vreg.scatter [tilespmem:s12], [sflag:$0x1], $0x80, v3, vm0, $0xb8;
	[tilespmem:$0xC100] =	vst v63  }
0x7e: {  	_ = 	snop  }
0x7f: {  	[hbm4b:s5+s2] =	stream.indirect_vreg.scatter [tilespmem:s13], [sflag:$0x1], $0x80, v3, vm0, $0xb8;
	[tilespmem:$0xC100] =	vst v63  }
0x80: {  	v3 =	vld [tilespmem:$0x90];
	_ =	sdelay $0x4  }
0x81: {  	v61 =	vshrl.u32 v3, $0x3  }
0x82: {  	v4 =	vmul.u32 $0x30, v61  }
0x83: {  	v3 =	vand.u32 $0x7, v3  }
0x84: {  	v3 =	vor.u32 v3, v4  }
0x85: {  	v4 =	vperm.xlane v3, v0;
	_ =	sdelay $0x1  }
0x86: {  	v4 =	vadd.s32 v1, v4;
	_ =	sdelay $0x3  }
0x87: {  	v3 =	vperm.xlane v3, v2  }
0x88: {  	[hbm4b:s3+s2] =	stream.indirect_vreg.scatter [tilespmem:s14], [sflag:$0x1], $0x80, v4, vm0, $0xb8;
	[tilespmem:$0xC100] =	vst v63  }
0x89: {  	v3 =	vadd.s32 v1, v3  }
0x8a: {  	[hbm4b:s4+s2] =	stream.indirect_vreg.scatter [tilespmem:s15], [sflag:$0x1], $0x80, v4, vm0, $0xb8;
	[tilespmem:$0xC100] =	vst v63  }
0x8b: {  	_ = 	snop  }
0x8c: {  	[hbm4b:s5+s2] =	stream.indirect_vreg.scatter [tilespmem:s16], [sflag:$0x1], $0x80, v4, vm0, $0xb8;
	[tilespmem:$0xC100] =	vst v63  }
0x8d: {  	_ = 	snop  }
0x8e: {  	[hbm4b:s3+s2] =	stream.indirect_vreg.scatter [tilespmem:s17], [sflag:$0x1], $0x80, v3, vm0, $0xb8;
	[tilespmem:$0xC100] =	vst v63  }
0x8f: {  	_ = 	snop  }
0x90: {  	[hbm4b:s4+s2] =	stream.indirect_vreg.scatter [tilespmem:s18], [sflag:$0x1], $0x80, v3, vm0, $0xb8;
	[tilespmem:$0xC100] =	vst v63  }
0x91: {  	_ = 	snop  }
0x92: {  	[hbm4b:s5+s2] =	stream.indirect_vreg.scatter [tilespmem:s19], [sflag:$0x1], $0x80, v3, vm0, $0xb8;
	[tilespmem:$0xC100] =	vst v63  }
0x93: {  	v3 =	vld [tilespmem:$0xA0];
	_ =	sdelay $0x4  }
0x94: {  	v62 =	vshrl.u32 v3, $0x3  }
0x95: {  	v4 =	vmul.u32 $0x30, v62  }
0x96: {  	v3 =	vand.u32 $0x7, v3  }
0x97: {  	v3 =	vor.u32 v3, v4  }
0x98: {  	v4 =	vperm.xlane v3, v0;
	_ =	sdelay $0x1  }
0x99: {  	v4 =	vadd.s32 v1, v4;
	_ =	sdelay $0x3  }
0x9a: {  	v3 =	vperm.xlane v3, v2  }
0x9b: {  	[hbm4b:s3+s2] =	stream.indirect_vreg.scatter [tilespmem:s20], [sflag:$0x1], $0x80, v4, vm0, $0xb8;
	[tilespmem:$0xC100] =	vst v63  }
0x9c: {  	v3 =	vadd.s32 v1, v3  }
0x9d: {  	[hbm4b:s4+s2] =	stream.indirect_vreg.scatter [tilespmem:s21], [sflag:$0x1], $0x80, v4, vm0, $0xb8;
	[tilespmem:$0xC100] =	vst v63  }
0x9e: {  	_ = 	snop  }
0x9f: {  	[hbm4b:s5+s2] =	stream.indirect_vreg.scatter [tilespmem:s22], [sflag:$0x1], $0x80, v4, vm0, $0xb8;
	[tilespmem:$0xC100] =	vst v63  }
0xa0: {  	_ = 	snop  }
0xa1: {  	[hbm4b:s3+s2] =	stream.indirect_vreg.scatter [tilespmem:s23], [sflag:$0x1], $0x80, v3, vm0, $0xb8;
	[tilespmem:$0xC100] =	vst v63  }
0xa2: {  	_ = 	snop  }
0xa3: {  	[hbm4b:s4+s2] =	stream.indirect_vreg.scatter [tilespmem:s24], [sflag:$0x1], $0x80, v3, vm0, $0xb8;
	[tilespmem:$0xC100] =	vst v63  }
0xa4: {  	_ = 	snop  }
0xa5: {  	[hbm4b:s5+s2] =	stream.indirect_vreg.scatter [tilespmem:s25], [sflag:$0x1], $0x80, v3, vm0, $0xb8;
	[tilespmem:$0xC100] =	vst v63  }
0xa6: {  	v3 =	vld [tilespmem:$0xB0];
	_ =	sdelay $0x4  }
0xa7: {  	v63 =	vshrl.u32 v3, $0x3  }
0xa8: {  	v4 =	vmul.u32 $0x30, v63  }
0xa9: {  	v3 =	vand.u32 $0x7, v3  }
0xaa: {  	v3 =	vor.u32 v3, v4  }
0xab: {  	v4 =	vperm.xlane v3, v0;
	_ =	sdelay $0x1  }
0xac: {  	v4 =	vadd.s32 v1, v4;
	_ =	sdelay $0x3  }
0xad: {  	v3 =	vperm.xlane v3, v2  }
0xae: {  	[hbm4b:s3+s2] =	stream.indirect_vreg.scatter [tilespmem:s26], [sflag:$0x1], $0x80, v4, vm0, $0xb8;
	[tilespmem:$0xC100] =	vst v63  }
0xaf: {  	v3 =	vadd.s32 v1, v3  }
0xb0: {  	[hbm4b:s4+s2] =	stream.indirect_vreg.scatter [tilespmem:s28], [sflag:$0x1], $0x80, v4, vm0, $0xb8;
	[tilespmem:$0xC100] =	vst v63  }
0xb1: {  	_ = 	snop  }
0xb2: {  	[hbm4b:s5+s2] =	stream.indirect_vreg.scatter [tilespmem:s29], [sflag:$0x1], $0x80, v4, vm0, $0xb8;
	[tilespmem:$0xC100] =	vst v63  }
0xb3: {  	_ = 	snop  }
0xb4: {  	[hbm4b:s3+s2] =	stream.indirect_vreg.scatter [tilespmem:s30], [sflag:$0x1], $0x80, v3, vm0, $0xb8;
	[tilespmem:$0xC100] =	vst v63  }
0xb5: {  	_ = 	snop  }
0xb6: {  	[hbm4b:s4+s2] =	stream.indirect_vreg.scatter [tilespmem:s31], [sflag:$0x1], $0x80, v3, vm0, $0xb8;
	[tilespmem:$0xC100] =	vst v63  }
0xb7: {  	_ = 	snop  }
0xb8: {  	[hbm4b:s5+s2] =	stream.indirect_vreg.scatter [tilespmem:s0], [sflag:$0x1], $0x80, v3, vm0, $0xb8;
	[tilespmem:$0xC100] =	vst v63  }
0xb9: {  	p0 =	sne.s32 s6, $0x1;
	_ =	swait.ge [sflag:s1], $0xC000  }
.Ltmp0:
0xba: {  	[sflag:s1] =	ssyncset.done $0x0;
	(pc) =	sbr.rel @p0 .LBB2_1-.Ltmp0, $4  }
0xbb: {  	[sflag:s1] =	ssyncadd.s32 $0xFFFF4000  }
0xbc: {  	_ =	swait.ge [sflag:s1], $0xC000  }
0xbd: {  	[sflag:s1] =	ssyncset.done $0x0  }
0xbe: {  	s6 =	sadd.s32 $0xFFFFFFFF, s6;
	[sflag:s1] =	ssyncadd.s32 $0xFFFF4000  }
0xbf: {  	_ =	sfence.sel $0x180000  }
0xc0: {  	[bflag:$0x0] =	sbarrier.arrive $0xFFFF  }
0xc1: {  	_ =	strace $0x90000047  }
0xc2: {  	s0 =	stileid.u32;
	[bflag:$0x2] =	sbarrier.arrive $0xFFFF  }
0xc3: {  	p0 =	sne.s32 s0, $0x0;
	s0 =	rddreg [dreg:$0x2]  }
0xc4: {  	s0 =	sadd.s32 @!p0 $0x100000, s0  }
0xc5: {  	[sflag:s0] =	ssyncadd.tile.s32 @!p0 $0x1;
	_ =	shalt  }
.Lfunc_end2:
_tile_overlayer_lowered:
.L_overlay_start_2:
0xc6: {  	(tag) =	ssettag $0x2  }
0xc7: {  	s0 =	rddreg [dreg:$0x0];
	s2 =	stileid.u32  }
0xc8: {  	s1 =	rddreg [dreg:$0x1];
	p0 =	sne.s32 s2, $0x0  }
0xc9: {  	s3 =	rddreg [dreg:$0x2];
	[bflag:$0x3] =	sbarrier.arrive $0xFFFF;
	s2 =	simm.s32 @!p0 $0x1C02  }
0xca: {  	[timem:s3], [sflag:s2] =	dma.local @!p0 [hbm:s0], s1  }
0xcb: {  	s0 =	simm.s32 @!p0 $0x2  }
0xcc: {  	_ =	swait.ge @!p0 [sflag:s0], s1  }
0xcd: {  	s1 =	ssub.s32 @!p0 $0x0, s1;
	[sflag:s0] =	ssyncset.done @!p0 $0x0  }
0xce: {  	[sflag:s0] =	ssyncadd.s32 @!p0 s1  }
0xcf: {  	[bflag:$0x3] =	sbarrier.arrive $0xFFFF  }
0xd0: {  	_ =	shalt  }

</sc_bundles>
